<compile_context>
chip_gen: v7x
topology: tpu7x:2x2x1
jax: 0.10.2.dev20260603
libtpu: 0.0.44.dev20260713+nightly
codegen_flags: <defaults>
</compile_context>

<pallas_src>
import functools

import jax
import jax.numpy as jnp
from jax import lax
from jax.experimental import pallas as pl
from jax.experimental.pallas import tpu as pltpu
from jax.experimental.pallas import tpu_sc as plsc

N = 10000
E = 160000
D = 128
K = 5000


_WSC = 1_280_000
_GWIN = _WSC + 128
_NPASS = N * 10240 // (2 * _WSC)
_ECH = E // 16
_WCH = 20_000
_NCH = _WSC // _WCH


def _adj_body(src_hbm, dst_hbm, g_hbm, gwin, keyb, dstc, stage2d,
              ones_v, zeros_v, wbuf):
    c = lax.axis_index("c")
    s = lax.axis_index("s")
    lanes = lax.iota(jnp.int32, 16)

    def _zb(i, carry):
        wbuf[pl.ds(i * 16, 16)] = jnp.zeros((16,), jnp.float32)
        return carry
    lax.fori_loop(0, _WCH // 16, _zb, 0)
    for j in range(8):
        ones_v[pl.ds(j * 16, 16)] = jnp.ones((16,), jnp.float32)
        zeros_v[pl.ds(j * 16, 16)] = jnp.zeros((16,), jnp.float32)

    pltpu.sync_copy(src_hbm.at[pl.ds(s * _ECH, _ECH)], keyb)
    for j in range(5):
        pltpu.sync_copy(dst_hbm.at[pl.ds(s * _ECH + j * 2000, 2000)], dstc)

        def _key(i, carry):
            keyb[pl.ds(j * 2000 + i * 16, 16)] = (
                keyb[pl.ds(j * 2000 + i * 16, 16)] * _NP + dstc[pl.ds(i * 16, 16)])
            return carry
        lax.fori_loop(0, 2000 // 16, _key, 0)

    for j in range(4):
        @pl.when(s + 16 * j < _NCH)
        def _z():
            pltpu.sync_copy(wbuf, gwin.at[pl.ds((s + 16 * j) * _WCH, _WCH)])
    @pl.when(s == 0)
    def _zd():
        pltpu.sync_copy(wbuf.at[pl.ds(0, 128)], gwin.at[pl.ds(_WSC, 128)])
    plsc.subcore_barrier()

    def _pass(p, carry):
        base = p * (2 * _WSC) + c * _WSC

        def _scan(i, cnt):
            k = keyb[pl.ds(i * 16, 16)]
            t = k - base
            m = (t >= 0) & (t < _WSC)
            n_vec = plsc.all_reduce_population_count(m)
            _, tc = plsc.sort_key_val(jnp.where(m, 0, 1), t)
            pos = cnt + lanes
            plsc.store_scatter(stage2d, [pos >> 7, pos & 127], tc)
            return cnt + n_vec[0]
        cnt = lax.fori_loop(0, _ECH // 16, _scan, 0)

        for j in range(8):
            pos = cnt + j * 16 + lanes
            plsc.store_scatter(stage2d, [pos >> 7, pos & 127],
                               _WSC + j * 16 + lanes)
        nb = (cnt + 127) // 128

        def _sc(b, carry):
            pltpu.sync_copy(ones_v, gwin.at[stage2d.at[b]], add=True)
            return carry
        lax.fori_loop(0, nb, _sc, 0)
        plsc.subcore_barrier()

        for j in range(4):
            @pl.when(s + 16 * j < _NCH)
            def _wb():
                off = (s + 16 * j) * _WCH
                pltpu.sync_copy(gwin.at[pl.ds(off, _WCH)], wbuf)
                pltpu.sync_copy(wbuf, g_hbm.at[pl.ds(base + off, _WCH)])
        plsc.subcore_barrier()

        def _rz(b, carry):
            pltpu.sync_copy(zeros_v, gwin.at[stage2d.at[b]])
            return carry
        lax.fori_loop(0, nb, _rz, 0)
        plsc.subcore_barrier()
        return carry

    lax.fori_loop(0, _NPASS, _pass, 0)


@jax.jit
def _adj_counts(src, dst):
    mesh = plsc.VectorSubcoreMesh(core_axis_name="c", subcore_axis_name="s")
    f = pl.kernel(
        _adj_body,
        out_type=jax.ShapeDtypeStruct((N * 10240,), jnp.float32),
        mesh=mesh,
        scratch_types=[
            pltpu.VMEM_SHARED((_GWIN,), jnp.float32),
            pltpu.VMEM((_ECH,), jnp.int32),
            pltpu.VMEM((2000,), jnp.int32),
            pltpu.VMEM((80, 128), jnp.int32),
            pltpu.VMEM((128,), jnp.float32),
            pltpu.VMEM((128,), jnp.float32),
            pltpu.VMEM((_WCH,), jnp.float32),
        ],
        compiler_params=pltpu.CompilerParams(needs_layout_passes=False),
    )
    return f(src, dst)



_BM = 200


def _score_body(adj_ref, h_ref, wd_ref, bd_ref, wp_ref, bp_ref,
                g_ref, h1_ref, sc_ref, inv_ref):
    adjp = adj_ref[...]
    adj = adjp[:, :N]
    deg = jnp.sum(adjp, axis=1, keepdims=True)
    g = adj / (deg + 1e-8)
    g_ref[...] = g
    inv_ref[...] = 1.0 / (deg + 1e-8)
    t = jnp.dot(g, h_ref[...])
    h1 = jnp.maximum(jnp.dot(t, wd_ref[...]) + bd_ref[...], 0.0)
    h1_ref[...] = h1
    sgt = jnp.dot(h1, wp_ref[...]) + bp_ref[...]
    sc_ref[...] = 1.0 / (1.0 + jnp.exp(-sgt))


def _dense_scores(adj, h, W_down, b_down, W_pool, b_pool):
    grid = N // _BM
    return pl.pallas_call(
        _score_body,
        grid=(grid,),
        in_specs=[
            pl.BlockSpec((_BM, 10240), lambda i: (i, 0)),
            pl.BlockSpec((N, D), lambda i: (0, 0)),
            pl.BlockSpec((D, D), lambda i: (0, 0)),
            pl.BlockSpec((1, D), lambda i: (0, 0)),
            pl.BlockSpec((D, 1), lambda i: (0, 0)),
            pl.BlockSpec((1, 1), lambda i: (0, 0)),
        ],
        out_specs=[
            pl.BlockSpec((_BM, N), lambda i: (i, 0)),
            pl.BlockSpec((_BM, D), lambda i: (i, 0)),
            pl.BlockSpec((_BM, 1), lambda i: (i, 0)),
            pl.BlockSpec((_BM, 1), lambda i: (i, 0)),
        ],
        out_shape=[
            jax.ShapeDtypeStruct((N, N), jnp.float32),
            jax.ShapeDtypeStruct((N, D), jnp.float32),
            jax.ShapeDtypeStruct((N, 1), jnp.float32),
            jax.ShapeDtypeStruct((N, 1), jnp.float32),
        ],
    )(adj, h, W_down, b_down.reshape(1, D), W_pool, b_pool.reshape(1, 1))



_RBM = 200
_NP = 10240


def _rank_body(scol_ref, srow_ref, rank_ref):
    i0 = pl.program_id(0) * _RBM
    scol = scol_ref[...]
    srow = srow_ref[...]
    jrow = jax.lax.broadcasted_iota(jnp.int32, (_RBM, _NP), 1)
    icol = jax.lax.broadcasted_iota(jnp.int32, (_RBM, _NP), 0) + i0
    above = (srow > scol) | ((srow == scol) & (jrow < icol))
    rank = jnp.sum(jnp.where(above, 1.0, 0.0), axis=1, keepdims=True)
    rank_ref[...] = rank.astype(jnp.int32)


def _rank_of(scol, srow):
    return pl.pallas_call(
        _rank_body,
        grid=(N // _RBM,),
        in_specs=[
            pl.BlockSpec((_RBM, 1), lambda i: (i, 0)),
            pl.BlockSpec((1, _NP), lambda i: (0, 0)),
        ],
        out_specs=pl.BlockSpec((_RBM, 1), lambda i: (i, 0)),
        out_shape=jax.ShapeDtypeStruct((N, 1), jnp.int32),
    )(scol, srow)



_KP = 5120


def _topk_body(rank_hbm, sc_hbm, inv_hbm, h1_hbm,
               sidx_hbm, sval_hbm, sinv_hbm,
               rkb, scb, invb, i2d, n2d, v2d, w2d, idxg, rowg, sem):
    c = lax.axis_index("c")
    s = lax.axis_index("s")
    lanes = lax.iota(jnp.int32, 16)
    base = s * 640
    pltpu.sync_copy(rank_hbm.at[pl.ds(base, 640)], rkb)
    pltpu.sync_copy(sc_hbm.at[pl.ds(base, 640)], scb)
    pltpu.sync_copy(inv_hbm.at[pl.ds(base, 640)], invb)

    @pl.when(s == 0)
    def _padfill():
        def _pf(i, carry):
            i2d[0, pl.ds(i * 16, 16)] = jnp.zeros((16,), jnp.int32)
            return carry
        lax.fori_loop(0, 8, _pf, 0)
        pltpu.sync_copy(i2d.at[0, pl.ds(0, 120)], sidx_hbm.at[pl.ds(K, 120)])

    def _it(i, carry):
        sl = pl.ds(i * 16, 16)
        r = rkb[sl]
        sel = r < K
        rd = jnp.where(sel, r, K + 8 + lanes)
        row = i >> 3
        col = (i & 7) * 16
        i2d[row, pl.ds(col, 16)] = rd
        n2d[row, pl.ds(col, 16)] = base + i * 16 + lanes
        v2d[row, pl.ds(col, 16)] = scb[sl]
        w2d[row, pl.ds(col, 16)] = invb[sl]
        return carry
    lax.fori_loop(0, 40, _it, 0)

    def _fl(b, carry):
        pltpu.sync_copy(n2d.at[b], sidx_hbm.at[i2d.at[b]])
        pltpu.sync_copy(v2d.at[b], sval_hbm.at[i2d.at[b]])
        pltpu.sync_copy(w2d.at[b], sinv_hbm.at[i2d.at[b]])
        return carry
    lax.fori_loop(0, 5, _fl, 0)
    plsc.subcore_barrier()

    del h1_hbm, idxg, rowg, sem, c


@jax.jit
def _topk_arrays(rank_pad, sc_pad, inv_pad, h1):
    mesh = plsc.VectorSubcoreMesh(core_axis_name="c", subcore_axis_name="s")
    f = pl.kernel(
        _topk_body,
        out_type=(
            jax.ShapeDtypeStruct((_KP,), jnp.int32),
            jax.ShapeDtypeStruct((_KP,), jnp.float32),
            jax.ShapeDtypeStruct((_KP,), jnp.float32),
        ),
        mesh=mesh,
        scratch_types=[
            pltpu.VMEM((640,), jnp.int32),
            pltpu.VMEM((640,), jnp.float32),
            pltpu.VMEM((640,), jnp.float32),
            pltpu.VMEM((5, 128), jnp.int32),
            pltpu.VMEM((5, 128), jnp.int32),
            pltpu.VMEM((5, 128), jnp.float32),
            pltpu.VMEM((5, 128), jnp.float32),
            pltpu.VMEM((2, 80), jnp.int32),
            pltpu.VMEM((80, D), jnp.float32),
            pltpu.SemaphoreType.DMA,
        ],
        compiler_params=pltpu.CompilerParams(needs_layout_passes=False),
    )
    return f(rank_pad, sc_pad, inv_pad, h1)


def _rowgather_body(tab_hbm, idx_hbm, out_hbm, idxv, rowg, sem):
    c = lax.axis_index("c")
    s = lax.axis_index("s")
    wid = s * 2 + c
    for j in range(2):
        pltpu.sync_copy(idx_hbm.at[pl.ds(wid * 160 + j * 80, 80)], idxv.at[j])
        pltpu.async_copy(tab_hbm.at[idxv.at[j]], rowg, sem).wait()
        pltpu.sync_copy(rowg, out_hbm.at[pl.ds(wid * 160 + j * 80, 80)])


@jax.jit
def _rowgather(tab, idx):
    mesh = plsc.VectorSubcoreMesh(core_axis_name="c", subcore_axis_name="s")
    f = pl.kernel(
        _rowgather_body,
        out_type=jax.ShapeDtypeStruct((_KP, D), jnp.float32),
        mesh=mesh,
        scratch_types=[
            pltpu.VMEM((2, 80), jnp.int32),
            pltpu.VMEM((80, D), jnp.float32),
            pltpu.SemaphoreType.DMA,
        ],
        compiler_params=pltpu.CompilerParams(needs_layout_passes=False),
    )
    return f(tab, idx)


def _rowgw_body(tab_hbm, idx_hbm, out_hbm, idxv, rowg, sem):
    c = lax.axis_index("c")
    s = lax.axis_index("s")
    wid = s * 2 + c
    for j in range(2):
        pltpu.sync_copy(idx_hbm.at[pl.ds(wid * 160 + j * 80, 80)], idxv.at[j])
        for o in range(10):
            pltpu.async_copy(tab_hbm.at[idxv.at[j, pl.ds(o * 8, 8)]], rowg, sem).wait()
            pltpu.sync_copy(rowg, out_hbm.at[pl.ds(wid * 160 + j * 80 + o * 8, 8)])


@jax.jit
def _rowgather_wide(tab, idx):
    mesh = plsc.VectorSubcoreMesh(core_axis_name="c", subcore_axis_name="s")
    f = pl.kernel(
        _rowgw_body,
        out_type=jax.ShapeDtypeStruct((_KP, _NP), jnp.float32),
        mesh=mesh,
        scratch_types=[
            pltpu.VMEM((2, 80), jnp.int32),
            pltpu.VMEM((8, _NP), jnp.float32),
            pltpu.SemaphoreType.DMA,
        ],
        compiler_params=pltpu.CompilerParams(needs_layout_passes=False),
    )
    return f(tab, idx)


def _rowgn_body(tab_hbm, idx_hbm, out_hbm, idxv, rowg, sem):
    c = lax.axis_index("c")
    s = lax.axis_index("s")
    wid = s * 2 + c
    for j in range(4):
        pltpu.sync_copy(idx_hbm.at[pl.ds(wid * 320 + j * 80, 80)], idxv.at[j])
        pltpu.async_copy(tab_hbm.at[idxv.at[j]], rowg, sem).wait()
        pltpu.sync_copy(rowg, out_hbm.at[pl.ds(wid * 320 + j * 80, 80)])


@jax.jit
def _rowgather_n(tab, idx):
    mesh = plsc.VectorSubcoreMesh(core_axis_name="c", subcore_axis_name="s")
    f = pl.kernel(
        _rowgn_body,
        out_type=jax.ShapeDtypeStruct((_NP, D), jnp.float32),
        mesh=mesh,
        scratch_types=[
            pltpu.VMEM((4, 80), jnp.int32),
            pltpu.VMEM((80, D), jnp.float32),
            pltpu.SemaphoreType.DMA,
        ],
        compiler_params=pltpu.CompilerParams(needs_layout_passes=False),
    )
    return f(tab, idx)




def _h2_body(g_ref, v_ref, h2_ref):
    h2_ref[...] = g_ref[...] * v_ref[...]


def _h2_scale(gath, vals_col):
    return pl.pallas_call(
        _h2_body,
        grid=(25,),
        in_specs=[pl.BlockSpec((200, D), lambda i: (i, 0)),
                  pl.BlockSpec((200, 1), lambda i: (i, 0))],
        out_specs=pl.BlockSpec((200, D), lambda i: (i, 0)),
        out_shape=jax.ShapeDtypeStruct((K, D), jnp.float32),
    )(gath, vals_col)


def _att_body(h2b_ref, h2_ref, att_ref, av_ref):
    sl = jnp.dot(h2b_ref[...], h2_ref[...].T) / jnp.sqrt(jnp.float32(D))
    m = jnp.max(sl, axis=1, keepdims=True)
    e = jnp.exp(sl - m)
    att = e / jnp.sum(e, axis=1, keepdims=True)
    att_ref[...] = att
    av_ref[...] = jnp.dot(att, h2_ref[...])


def _att_av(h2):
    return pl.pallas_call(
        _att_body,
        grid=(25,),
        in_specs=[pl.BlockSpec((200, D), lambda i: (i, 0)),
                  pl.BlockSpec((K, D), lambda i: (0, 0))],
        out_specs=[pl.BlockSpec((200, K), lambda i: (i, 0)),
                   pl.BlockSpec((200, D), lambda i: (i, 0))],
        out_shape=[jax.ShapeDtypeStruct((K, K), jnp.float32),
                   jax.ShapeDtypeStruct((K, D), jnp.float32)],
    )(h2, h2)


def _s2f_body(adj_ref, p2_ref, sel_ref, s2_ref, cr_ref):
    ad = adj_ref[...]
    s2_ref[...] = jnp.dot(ad, p2_ref[...])
    cr_ref[...] = jnp.dot(ad, sel_ref[...])


def _s2full(adjp, p2, sel_col):
    return pl.pallas_call(
        _s2f_body,
        grid=(50,),
        in_specs=[pl.BlockSpec((200, _NP), lambda i: (i, 0)),
                  pl.BlockSpec((_NP, D), lambda i: (0, 0)),
                  pl.BlockSpec((_NP, D), lambda i: (0, 0))],
        out_specs=[pl.BlockSpec((200, D), lambda i: (i, 0)),
                   pl.BlockSpec((200, D), lambda i: (i, 0))],
        out_shape=[jax.ShapeDtypeStruct((N, D), jnp.float32),
                   jax.ShapeDtypeStruct((N, D), jnp.float32)],
    )(adjp, p2, sel_col)


def _h3_body(s2_ref, av_ref, c_ref, iv_ref, wb_ref, bb_ref, h3_ref):
    cc = c_ref[...]
    num = s2_ref[...] * iv_ref[...] / (cc + 1e-8) + av_ref[...]
    den = cc / (cc + 1e-8) + 1.0 + 1e-8
    x = num / den
    h3_ref[...] = jnp.maximum(jnp.dot(x, wb_ref[...]) + bb_ref[...], 0.0)


def _h3_of(s2, av, c_col, iv_col, W_bot, b_bot):
    return pl.pallas_call(
        _h3_body,
        grid=(25,),
        in_specs=[pl.BlockSpec((200, D), lambda i: (i, 0)),
                  pl.BlockSpec((200, D), lambda i: (i, 0)),
                  pl.BlockSpec((200, 1), lambda i: (i, 0)),
                  pl.BlockSpec((200, 1), lambda i: (i, 0)),
                  pl.BlockSpec((D, D), lambda i: (0, 0)),
                  pl.BlockSpec((1, D), lambda i: (0, 0))],
        out_specs=pl.BlockSpec((200, D), lambda i: (i, 0)),
        out_shape=jax.ShapeDtypeStruct((K, D), jnp.float32),
    )(s2, av, c_col, iv_col, W_bot, b_bot.reshape(1, D))


def _fin_body(adj_ref, h1_ref, p3_ref, iv_ref, wu_ref, bu_ref, out_ref):
    hup = h1_ref[...] + p3_ref[...]
    s3 = jnp.dot(adj_ref[...], hup) * iv_ref[...]
    out_ref[...] = jnp.dot(s3, wu_ref[...]) + bu_ref[...]


def _out_of(adj, h1, p3, inv_col, W_up, b_up):
    nc = W_up.shape[1]
    return pl.pallas_call(
        _fin_body,
        grid=(50,),
        in_specs=[pl.BlockSpec((200, _NP), lambda i: (i, 0)),
                  pl.BlockSpec((_NP, D), lambda i: (0, 0)),
                  pl.BlockSpec((_NP, D), lambda i: (0, 0)),
                  pl.BlockSpec((200, 1), lambda i: (i, 0)),
                  pl.BlockSpec((D, nc), lambda i: (0, 0)),
                  pl.BlockSpec((1, nc), lambda i: (0, 0))],
        out_specs=pl.BlockSpec((200, nc), lambda i: (i, 0)),
        out_shape=jax.ShapeDtypeStruct((N, nc), jnp.float32),
    )(adj, h1, p3, inv_col, W_up, b_up.reshape(1, nc))


def kernel(h, edge_index, W_down0, b_down0, W_pool0, b_pool0, W_bot, b_bot, W_up0, b_up0):
    src, dst = edge_index[0], edge_index[1]
    adjp = _adj_counts(src, dst).reshape(N, _NP)
    g, h1, sc, inv = _dense_scores(adjp, h, W_down0, b_down0, W_pool0, b_pool0)
    scores = sc.reshape(N)
    srow = jnp.pad(scores, (0, _NP - N), constant_values=-1.0).reshape(1, _NP)
    rank = _rank_of(sc, srow)
    rank_pad = jnp.pad(rank.reshape(N), (0, _NP - N), constant_values=1 << 30)
    sc_pad = jnp.pad(scores, (0, _NP - N))
    inv_pad = jnp.pad(inv.reshape(N), (0, _NP - N))
    sidx, sval, sinv = _topk_arrays(rank_pad, sc_pad, inv_pad, h1)
    gath = _rowgather(h1, sidx)
    h2 = _h2_scale(gath[:K], sval[:K].reshape(K, 1))
    att, av = _att_av(h2)
    rankc = jnp.minimum(rank_pad, K)
    h2z = jnp.concatenate([h2, jnp.zeros((8, D), jnp.float32)], axis=0)
    p2 = _rowgather_n(h2z, rankc)
    sel_col = jnp.broadcast_to(
        jnp.where(rank_pad < K, 1.0, 0.0).reshape(_NP, 1), (_NP, D))
    sel_col = jnp.asarray(sel_col)
    s2f, crep = _s2full(adjp, p2, sel_col)
    s2sel = _rowgather(s2f, sidx)
    crepsel = _rowgather(crep, sidx)
    craw = crepsel[:K, :1] * sinv[:K].reshape(K, 1)
    h3 = _h3_of(s2sel[:K], av, craw, sinv[:K].reshape(K, 1), W_bot, b_bot)
    h3z = jnp.concatenate([h3, jnp.zeros((8, D), jnp.float32)], axis=0)
    p3 = _rowgather_n(h3z, rankc)
    h1p = jnp.pad(h1, ((0, _NP - N), (0, 0)))
    out = _out_of(adjp, h1p, p3, inv, W_up0, b_up0)
    return (out, att, h2, g)

# --- scband reference (transcript-rebuilt; emitter-appended) ---
"""Pipeline reference for scband-nlgcn-56633438765194 (READ-ONLY COPY).

The authoritative reference and input builder live on the scoring server;
editing this copy changes nothing except your own understanding.
"""

import jax, jax.numpy as jnp
import numpy as np

N_NODES = 10000
N_EDGES = 160000
D_FEAT = 128
D_HID = 128
N_CLASSES = 40
N_ATT = 1
K_RATIO = 0.5


def norm_g(g):
    deg = g.sum(axis=1, keepdims=True)
    return g / (deg + 1e-8)


def setup_inputs(seed: int = 0) -> dict:
    key = jax.random.key(seed)
    ks = jax.random.split(key, 12)
    h = jax.random.normal(ks[0], (N_NODES, D_FEAT), dtype=jnp.float32)
    edge_index = jax.random.randint(ks[1], (2, N_EDGES), 0, N_NODES, dtype=jnp.int32)
    s = 1.0 / np.sqrt(D_FEAT)
    W_down0 = jax.random.normal(ks[2], (D_FEAT, D_HID), dtype=jnp.float32) * s
    b_down0 = jnp.zeros((D_HID,), dtype=jnp.float32)
    W_pool0 = jax.random.normal(ks[3], (D_HID, N_ATT), dtype=jnp.float32) * (1.0 / np.sqrt(D_HID))
    b_pool0 = jnp.zeros((N_ATT,), dtype=jnp.float32)
    W_bot = jax.random.normal(ks[4], (D_HID, D_HID), dtype=jnp.float32) * (1.0 / np.sqrt(D_HID))
    b_bot = jnp.zeros((D_HID,), dtype=jnp.float32)
    W_up0 = jax.random.normal(ks[5], (D_HID, N_CLASSES), dtype=jnp.float32) * (1.0 / np.sqrt(D_HID))
    b_up0 = jnp.zeros((N_CLASSES,), dtype=jnp.float32)
    return {
        "h": h,
        "edge_index": edge_index,
        "W_down0": W_down0, "b_down0": b_down0,
        "W_pool0": W_pool0, "b_pool0": b_pool0,
        "W_bot": W_bot, "b_bot": b_bot,
        "W_up0": W_up0, "b_up0": b_up0,
    }


def reference(h, edge_index, W_down0, b_down0, W_pool0, b_pool0, W_bot, b_bot, W_up0, b_up0):
    # to_dense_adj + squeeze
    src, dst = edge_index[0], edge_index[1]
    adj = jnp.zeros((N_NODES, N_NODES), dtype=jnp.float32).at[src, dst].add(1.0)
    g = norm_g(adj)
    # ----- down GCN (l_n = 1): GCN = act(proj(g @ h)), dropout in eval mode (identity)
    h1 = jax.nn.relu((g @ h) @ W_down0 + b_down0)
    adj_m0 = g
    down_out0 = h1
    # ----- Pool (gPool-style top-k with n_att attention scores)
    scores = jax.nn.sigmoid(h1 @ W_pool0 + b_pool0).mean(axis=-1)
    k = max(2, int(K_RATIO * N_NODES))
    vals, idx = jax.lax.top_k(scores, k)
    h2 = h1[idx] * vals[:, None]
    g2 = norm_g(g[idx][:, idx])
    # ----- RefinedGraph (non-local refinement via feature-similarity attention)
    att = jax.nn.softmax((h2 @ h2.T) / jnp.sqrt(jnp.float32(D_HID)), axis=-1)
    new_g0 = att
    g2r = norm_g(g2 + att)
    new_h0 = h2
    # ----- bottom GCN
    h3 = jax.nn.relu((g2r @ h2) @ W_bot + b_bot)
    # ----- Unpool: scatter-overwrite rows by idx into zero tensor, then residual add
    h_up = jnp.zeros((N_NODES, D_HID), dtype=jnp.float32).at[idx].set(h3)
    h_up = h_up + down_out0
    # ----- up GCN (linear activation -> num_classes)
    out = (adj_m0 @ h_up) @ W_up0 + b_up0
    return (out, new_g0, new_h0, adj_m0)

if __name__ == "__main__":
    import jax
    _d = setup_inputs()
    print(jax.jit(kernel)(*tuple(_d.values())))

</pallas_src>

<mosaic_0001>
#map = affine_map<(d0, d1) -> (0)>
module attributes {stable_mosaic.version = 14 : i64} {
  func.func @_adj_body(%arg0: i32, %arg1: i32, %arg2: memref<160000xi32, #tpu.memory_space<hbm>>, %arg3: memref<160000xi32, #tpu.memory_space<hbm>>, %arg4: memref<102400000xf32, #tpu.memory_space<hbm>>, %arg5: memref<1280128xf32, #tpu.memory_space<vmem_shared>>, %arg6: memref<10000xi32, #tpu.memory_space<vmem>>, %arg7: memref<2000xi32, #tpu.memory_space<vmem>>, %arg8: memref<80x128xi32, #tpu.memory_space<vmem>>, %arg9: memref<128xf32, #tpu.memory_space<vmem>>, %arg10: memref<128xf32, #tpu.memory_space<vmem>>, %arg11: memref<20000xf32, #tpu.memory_space<vmem>>) attributes {dimension_semantics = [#tpu.dimension_semantics<core_parallel>, #tpu.dimension_semantics<subcore_parallel>], iteration_bounds = array<i64: 2, 16>, scalar_prefetch = 0 : i64, scratch_operands = 7 : i64, tpu.core_type = #tpu.core_type<sc_vector_subcore>, window_params = [{transform_indices = #map}, {transform_indices = #map}, {transform_indices = #map}]} {
    %iota3A = tpu.iota {dimensions = array<i32: 0>} : vector<16xi32>
    %scan3A = arith.constant 0 : i32
    %scan3A_0 = arith.constant 0 : i32
    %scan3A_1 = arith.constant 1250 : i32
    %scan3A_2 = arith.addi %scan3A_0, %scan3A_1 : i32
    %scan3A_3 = arith.constant 1 : i32
    scf.for %scan3A_152 = %scan3A_0 to %scan3A_2 step %scan3A_3  : i32 {
      %broadcast_in_dim3A_153 = arith.constant 0.000000e+00 : f32
      %broadcast_in_dim3A_154 = vector.broadcast %broadcast_in_dim3A_153 : f32 to vector<16xf32>
      %mul3A_155 = arith.constant 16 : i32
      %mul3A_156 = arith.muli %scan3A_152, %mul3A_155 : i32
      %swap3A_157 = arith.index_cast %mul3A_156 : i32 to index
      %swap3A_158 = tpu.vector_load %arg11[%swap3A_157] {strides = array<i32>} : memref<20000xf32, #tpu.memory_space<vmem>>, vector<16xf32>,
      tpu.vector_store %arg11[%swap3A_157], %broadcast_in_dim3A_154 {strides = array<i32>} : memref<20000xf32, #tpu.memory_space<vmem>>, vector<16xf32>,
    }
    %scan3A_4 = arith.constant 1250 : i32
    %broadcast_in_dim3A = arith.constant 1.000000e+00 : f32
    %broadcast_in_dim3A_5 = vector.broadcast %broadcast_in_dim3A : f32 to vector<16xf32>
    %swap3A = arith.constant 0 : index
    %swap3A_6 = tpu.vector_load %arg9[%swap3A] {strides = array<i32>} : memref<128xf32, #tpu.memory_space<vmem>>, vector<16xf32>,
    tpu.vector_store %arg9[%swap3A], %broadcast_in_dim3A_5 {strides = array<i32>} : memref<128xf32, #tpu.memory_space<vmem>>, vector<16xf32>,
    %broadcast_in_dim3A_7 = arith.constant 0.000000e+00 : f32
    %broadcast_in_dim3A_8 = vector.broadcast %broadcast_in_dim3A_7 : f32 to vector<16xf32>
    %swap3A_9 = arith.constant 0 : index
    %swap3A_10 = tpu.vector_load %arg10[%swap3A_9] {strides = array<i32>} : memref<128xf32, #tpu.memory_space<vmem>>, vector<16xf32>,
    tpu.vector_store %arg10[%swap3A_9], %broadcast_in_dim3A_8 {strides = array<i32>} : memref<128xf32, #tpu.memory_space<vmem>>, vector<16xf32>,
    %broadcast_in_dim3A_11 = arith.constant 1.000000e+00 : f32
    %broadcast_in_dim3A_12 = vector.broadcast %broadcast_in_dim3A_11 : f32 to vector<16xf32>
    %swap3A_13 = arith.constant 16 : index
    %swap3A_14 = tpu.vector_load %arg9[%swap3A_13] {strides = array<i32>} : memref<128xf32, #tpu.memory_space<vmem>>, vector<16xf32>,
    tpu.vector_store %arg9[%swap3A_13], %broadcast_in_dim3A_12 {strides = array<i32>} : memref<128xf32, #tpu.memory_space<vmem>>, vector<16xf32>,
    %broadcast_in_dim3A_15 = arith.constant 0.000000e+00 : f32
    %broadcast_in_dim3A_16 = vector.broadcast %broadcast_in_dim3A_15 : f32 to vector<16xf32>
    %swap3A_17 = arith.constant 16 : index
    %swap3A_18 = tpu.vector_load %arg10[%swap3A_17] {strides = array<i32>} : memref<128xf32, #tpu.memory_space<vmem>>, vector<16xf32>,
    tpu.vector_store %arg10[%swap3A_17], %broadcast_in_dim3A_16 {strides = array<i32>} : memref<128xf32, #tpu.memory_space<vmem>>, vector<16xf32>,
    %broadcast_in_dim3A_19 = arith.constant 1.000000e+00 : f32
    %broadcast_in_dim3A_20 = vector.broadcast %broadcast_in_dim3A_19 : f32 to vector<16xf32>
    %swap3A_21 = arith.constant 32 : index
    %swap3A_22 = tpu.vector_load %arg9[%swap3A_21] {strides = array<i32>} : memref<128xf32, #tpu.memory_space<vmem>>, vector<16xf32>,
    tpu.vector_store %arg9[%swap3A_21], %broadcast_in_dim3A_20 {strides = array<i32>} : memref<128xf32, #tpu.memory_space<vmem>>, vector<16xf32>,
    %broadcast_in_dim3A_23 = arith.constant 0.000000e+00 : f32
    %broadcast_in_dim3A_24 = vector.broadcast %broadcast_in_dim3A_23 : f32 to vector<16xf32>
    %swap3A_25 = arith.constant 32 : index
    %swap3A_26 = tpu.vector_load %arg10[%swap3A_25] {strides = array<i32>} : memref<128xf32, #tpu.memory_space<vmem>>, vector<16xf32>,
    tpu.vector_store %arg10[%swap3A_25], %broadcast_in_dim3A_24 {strides = array<i32>} : memref<128xf32, #tpu.memory_space<vmem>>, vector<16xf32>,
    %broadcast_in_dim3A_27 = arith.constant 1.000000e+00 : f32
    %broadcast_in_dim3A_28 = vector.broadcast %broadcast_in_dim3A_27 : f32 to vector<16xf32>
    %swap3A_29 = arith.constant 48 : index
    %swap3A_30 = tpu.vector_load %arg9[%swap3A_29] {strides = array<i32>} : memref<128xf32, #tpu.memory_space<vmem>>, vector<16xf32>,
    tpu.vector_store %arg9[%swap3A_29], %broadcast_in_dim3A_28 {strides = array<i32>} : memref<128xf32, #tpu.memory_space<vmem>>, vector<16xf32>,
    %broadcast_in_dim3A_31 = arith.constant 0.000000e+00 : f32
    %broadcast_in_dim3A_32 = vector.broadcast %broadcast_in_dim3A_31 : f32 to vector<16xf32>
    %swap3A_33 = arith.constant 48 : index
    %swap3A_34 = tpu.vector_load %arg10[%swap3A_33] {strides = array<i32>} : memref<128xf32, #tpu.memory_space<vmem>>, vector<16xf32>,
    tpu.vector_store %arg10[%swap3A_33], %broadcast_in_dim3A_32 {strides = array<i32>} : memref<128xf32, #tpu.memory_space<vmem>>, vector<16xf32>,
    %broadcast_in_dim3A_35 = arith.constant 1.000000e+00 : f32
    %broadcast_in_dim3A_36 = vector.broadcast %broadcast_in_dim3A_35 : f32 to vector<16xf32>
    %swap3A_37 = arith.constant 64 : index
    %swap3A_38 = tpu.vector_load %arg9[%swap3A_37] {strides = array<i32>} : memref<128xf32, #tpu.memory_space<vmem>>, vector<16xf32>,
    tpu.vector_store %arg9[%swap3A_37], %broadcast_in_dim3A_36 {strides = array<i32>} : memref<128xf32, #tpu.memory_space<vmem>>, vector<16xf32>,
    %broadcast_in_dim3A_39 = arith.constant 0.000000e+00 : f32
    %broadcast_in_dim3A_40 = vector.broadcast %broadcast_in_dim3A_39 : f32 to vector<16xf32>
    %swap3A_41 = arith.constant 64 : index
    %swap3A_42 = tpu.vector_load %arg10[%swap3A_41] {strides = array<i32>} : memref<128xf32, #tpu.memory_space<vmem>>, vector<16xf32>,
    tpu.vector_store %arg10[%swap3A_41], %broadcast_in_dim3A_40 {strides = array<i32>} : memref<128xf32, #tpu.memory_space<vmem>>, vector<16xf32>,
    %broadcast_in_dim3A_43 = arith.constant 1.000000e+00 : f32
    %broadcast_in_dim3A_44 = vector.broadcast %broadcast_in_dim3A_43 : f32 to vector<16xf32>
    %swap3A_45 = arith.constant 80 : index
    %swap3A_46 = tpu.vector_load %arg9[%swap3A_45] {strides = array<i32>} : memref<128xf32, #tpu.memory_space<vmem>>, vector<16xf32>,
    tpu.vector_store %arg9[%swap3A_45], %broadcast_in_dim3A_44 {strides = array<i32>} : memref<128xf32, #tpu.memory_space<vmem>>, vector<16xf32>,
    %broadcast_in_dim3A_47 = arith.constant 0.000000e+00 : f32
    %broadcast_in_dim3A_48 = vector.broadcast %broadcast_in_dim3A_47 : f32 to vector<16xf32>
    %swap3A_49 = arith.constant 80 : index
    %swap3A_50 = tpu.vector_load %arg10[%swap3A_49] {strides = array<i32>} : memref<128xf32, #tpu.memory_space<vmem>>, vector<16xf32>,
    tpu.vector_store %arg10[%swap3A_49], %broadcast_in_dim3A_48 {strides = array<i32>} : memref<128xf32, #tpu.memory_space<vmem>>, vector<16xf32>,
    %broadcast_in_dim3A_51 = arith.constant 1.000000e+00 : f32
    %broadcast_in_dim3A_52 = vector.broadcast %broadcast_in_dim3A_51 : f32 to vector<16xf32>
    %swap3A_53 = arith.constant 96 : index
    %swap3A_54 = tpu.vector_load %arg9[%swap3A_53] {strides = array<i32>} : memref<128xf32, #tpu.memory_space<vmem>>, vector<16xf32>,
    tpu.vector_store %arg9[%swap3A_53], %broadcast_in_dim3A_52 {strides = array<i32>} : memref<128xf32, #tpu.memory_space<vmem>>, vector<16xf32>,
    %broadcast_in_dim3A_55 = arith.constant 0.000000e+00 : f32
    %broadcast_in_dim3A_56 = vector.broadcast %broadcast_in_dim3A_55 : f32 to vector<16xf32>
    %swap3A_57 = arith.constant 96 : index
    %swap3A_58 = tpu.vector_load %arg10[%swap3A_57] {strides = array<i32>} : memref<128xf32, #tpu.memory_space<vmem>>, vector<16xf32>,
    tpu.vector_store %arg10[%swap3A_57], %broadcast_in_dim3A_56 {strides = array<i32>} : memref<128xf32, #tpu.memory_space<vmem>>, vector<16xf32>,
    %broadcast_in_dim3A_59 = arith.constant 1.000000e+00 : f32
    %broadcast_in_dim3A_60 = vector.broadcast %broadcast_in_dim3A_59 : f32 to vector<16xf32>
    %swap3A_61 = arith.constant 112 : index
    %swap3A_62 = tpu.vector_load %arg9[%swap3A_61] {strides = array<i32>} : memref<128xf32, #tpu.memory_space<vmem>>, vector<16xf32>,
    tpu.vector_store %arg9[%swap3A_61], %broadcast_in_dim3A_60 {strides = array<i32>} : memref<128xf32, #tpu.memory_space<vmem>>, vector<16xf32>,
    %broadcast_in_dim3A_63 = arith.constant 0.000000e+00 : f32
    %broadcast_in_dim3A_64 = vector.broadcast %broadcast_in_dim3A_63 : f32 to vector<16xf32>
    %swap3A_65 = arith.constant 112 : index
    %swap3A_66 = tpu.vector_load %arg10[%swap3A_65] {strides = array<i32>} : memref<128xf32, #tpu.memory_space<vmem>>, vector<16xf32>,
    tpu.vector_store %arg10[%swap3A_65], %broadcast_in_dim3A_64 {strides = array<i32>} : memref<128xf32, #tpu.memory_space<vmem>>, vector<16xf32>,
    %mul3A = arith.constant 10000 : i32
    %mul3A_67 = arith.muli %arg1, %mul3A : i32
    "tpu.region"() ({
      %run_scoped3A = tpu.sem_alloc : memref<!tpu.dma_semaphore, #tpu.memory_space<semaphore_mem>>
      %dma_start3A = tpu.memref_slice %arg2[%mul3A_67] : memref<160000xi32, #tpu.memory_space<hbm>> -> memref<10000xi32, #tpu.memory_space<hbm>>
      %dma_start3A_152 = tpu.memref_slice %arg2[%mul3A_67] : memref<160000xi32, #tpu.memory_space<hbm>> -> memref<10000xi32, #tpu.memory_space<hbm>>
      tpu.enqueue_dma source(%dma_start3A_152 : memref<10000xi32, #tpu.memory_space<hbm>>) target(%arg6 : memref<10000xi32, #tpu.memory_space<vmem>>) target_semaphore(%run_scoped3A : memref<!tpu.dma_semaphore, #tpu.memory_space<semaphore_mem>>)
      %dma_wait3A = tpu.memref_slice %arg2[%mul3A_67] : memref<160000xi32, #tpu.memory_space<hbm>> -> memref<10000xi32, #tpu.memory_space<hbm>>
      %dma_wait3A_153 = tpu.memref_slice %arg2[%mul3A_67] : memref<160000xi32, #tpu.memory_space<hbm>> -> memref<10000xi32, #tpu.memory_space<hbm>>
      tpu.wait_dma2 semaphore(%run_scoped3A : memref<!tpu.dma_semaphore, #tpu.memory_space<semaphore_mem>>) src(%dma_wait3A_153 : memref<10000xi32, #tpu.memory_space<hbm>>) dst(%arg6 : memref<10000xi32, #tpu.memory_space<vmem>>)
      tpu.yield
    }) : () -> ()
    %mul3A_68 = arith.constant 10000 : i32
    %mul3A_69 = arith.muli %arg1, %mul3A_68 : i32
    %add3A = arith.constant 0 : i32
    %add3A_70 = arith.addi %mul3A_69, %add3A : i32
    "tpu.region"() ({
      %run_scoped3A = tpu.sem_alloc : memref<!tpu.dma_semaphore, #tpu.memory_space<semaphore_mem>>
      %dma_start3A = tpu.memref_slice %arg3[%add3A_70] : memref<160000xi32, #tpu.memory_space<hbm>> -> memref<2000xi32, #tpu.memory_space<hbm>>
      %dma_start3A_152 = tpu.memref_slice %arg3[%add3A_70] : memref<160000xi32, #tpu.memory_space<hbm>> -> memref<2000xi32, #tpu.memory_space<hbm>>
      tpu.enqueue_dma source(%dma_start3A_152 : memref<2000xi32, #tpu.memory_space<hbm>>) target(%arg7 : memref<2000xi32, #tpu.memory_space<vmem>>) target_semaphore(%run_scoped3A : memref<!tpu.dma_semaphore, #tpu.memory_space<semaphore_mem>>)
      %dma_wait3A = tpu.memref_slice %arg3[%add3A_70] : memref<160000xi32, #tpu.memory_space<hbm>> -> memref<2000xi32, #tpu.memory_space<hbm>>
      %dma_wait3A_153 = tpu.memref_slice %arg3[%add3A_70] : memref<160000xi32, #tpu.memory_space<hbm>> -> memref<2000xi32, #tpu.memory_space<hbm>>
      tpu.wait_dma2 semaphore(%run_scoped3A : memref<!tpu.dma_semaphore, #tpu.memory_space<semaphore_mem>>) src(%dma_wait3A_153 : memref<2000xi32, #tpu.memory_space<hbm>>) dst(%arg7 : memref<2000xi32, #tpu.memory_space<vmem>>)
      tpu.yield
    }) : () -> ()
    %scan3A_71 = arith.constant 0 : i32
    %scan3A_72 = arith.constant 0 : i32
    %scan3A_73 = arith.constant 125 : i32
    %scan3A_74 = arith.addi %scan3A_72, %scan3A_73 : i32
    %scan3A_75 = arith.constant 1 : i32
    scf.for %scan3A_152 = %scan3A_72 to %scan3A_74 step %scan3A_75  : i32 {
      %mul3A_153 = arith.constant 16 : i32
      %mul3A_154 = arith.muli %scan3A_152, %mul3A_153 : i32
      %add3A_155 = arith.constant 0 : i32
      %add3A_156 = arith.addi %add3A_155, %mul3A_154 : i32
      %get3A = arith.index_cast %add3A_156 : i32 to index
      %get3A_157 = tpu.vector_load %arg6[%get3A] {strides = array<i32>} : memref<10000xi32, #tpu.memory_space<vmem>>, vector<16xi32>,
      %mul3A_158 = arith.constant 10240 : i32
      %mul3A_159 = vector.broadcast %mul3A_158 : i32 to vector<16xi32>
      %mul3A_160 = arith.muli %get3A_157, %mul3A_159 : vector<16xi32>
      %mul3A_161 = arith.constant 16 : i32
      %mul3A_162 = arith.muli %scan3A_152, %mul3A_161 : i32
      %get3A_163 = arith.index_cast %mul3A_162 : i32 to index
      %get3A_164 = tpu.vector_load %arg7[%get3A_163] {strides = array<i32>} : memref<2000xi32, #tpu.memory_space<vmem>>, vector<16xi32>,
      %add3A_165 = arith.addi %mul3A_160, %get3A_164 : vector<16xi32>
      %mul3A_166 = arith.constant 16 : i32
      %mul3A_167 = arith.muli %scan3A_152, %mul3A_166 : i32
      %add3A_168 = arith.constant 0 : i32
      %add3A_169 = arith.addi %add3A_168, %mul3A_167 : i32
      %swap3A_170 = arith.index_cast %add3A_169 : i32 to index
      %swap3A_171 = tpu.vector_load %arg6[%swap3A_170] {strides = array<i32>} : memref<10000xi32, #tpu.memory_space<vmem>>, vector<16xi32>,
      tpu.vector_store %arg6[%swap3A_170], %add3A_165 {strides = array<i32>} : memref<10000xi32, #tpu.memory_space<vmem>>, vector<16xi32>,
    }
    %scan3A_76 = arith.constant 125 : i32
    %mul3A_77 = arith.constant 10000 : i32
    %mul3A_78 = arith.muli %arg1, %mul3A_77 : i32
    %add3A_79 = arith.constant 2000 : i32
    %add3A_80 = arith.addi %mul3A_78, %add3A_79 : i32
    "tpu.region"() ({
      %run_scoped3A = tpu.sem_alloc : memref<!tpu.dma_semaphore, #tpu.memory_space<semaphore_mem>>
      %dma_start3A = tpu.memref_slice %arg3[%add3A_80] : memref<160000xi32, #tpu.memory_space<hbm>> -> memref<2000xi32, #tpu.memory_space<hbm>>
      %dma_start3A_152 = tpu.memref_slice %arg3[%add3A_80] : memref<160000xi32, #tpu.memory_space<hbm>> -> memref<2000xi32, #tpu.memory_space<hbm>>
      tpu.enqueue_dma source(%dma_start3A_152 : memref<2000xi32, #tpu.memory_space<hbm>>) target(%arg7 : memref<2000xi32, #tpu.memory_space<vmem>>) target_semaphore(%run_scoped3A : memref<!tpu.dma_semaphore, #tpu.memory_space<semaphore_mem>>)
      %dma_wait3A = tpu.memref_slice %arg3[%add3A_80] : memref<160000xi32, #tpu.memory_space<hbm>> -> memref<2000xi32, #tpu.memory_space<hbm>>
      %dma_wait3A_153 = tpu.memref_slice %arg3[%add3A_80] : memref<160000xi32, #tpu.memory_space<hbm>> -> memref<2000xi32, #tpu.memory_space<hbm>>
      tpu.wait_dma2 semaphore(%run_scoped3A : memref<!tpu.dma_semaphore, #tpu.memory_space<semaphore_mem>>) src(%dma_wait3A_153 : memref<2000xi32, #tpu.memory_space<hbm>>) dst(%arg7 : memref<2000xi32, #tpu.memory_space<vmem>>)
      tpu.yield
    }) : () -> ()
    %scan3A_81 = arith.constant 0 : i32
    %scan3A_82 = arith.constant 0 : i32
    %scan3A_83 = arith.constant 125 : i32
    %scan3A_84 = arith.addi %scan3A_82, %scan3A_83 : i32
    %scan3A_85 = arith.constant 1 : i32
    scf.for %scan3A_152 = %scan3A_82 to %scan3A_84 step %scan3A_85  : i32 {
      %mul3A_153 = arith.constant 16 : i32
      %mul3A_154 = arith.muli %scan3A_152, %mul3A_153 : i32
      %add3A_155 = arith.constant 2000 : i32
      %add3A_156 = arith.addi %add3A_155, %mul3A_154 : i32
      %get3A = arith.index_cast %add3A_156 : i32 to index
      %get3A_157 = tpu.vector_load %arg6[%get3A] {strides = array<i32>} : memref<10000xi32, #tpu.memory_space<vmem>>, vector<16xi32>,
      %mul3A_158 = arith.constant 10240 : i32
      %mul3A_159 = vector.broadcast %mul3A_158 : i32 to vector<16xi32>
      %mul3A_160 = arith.muli %get3A_157, %mul3A_159 : vector<16xi32>
      %mul3A_161 = arith.constant 16 : i32
      %mul3A_162 = arith.muli %scan3A_152, %mul3A_161 : i32
      %get3A_163 = arith.index_cast %mul3A_162 : i32 to index
      %get3A_164 = tpu.vector_load %arg7[%get3A_163] {strides = array<i32>} : memref<2000xi32, #tpu.memory_space<vmem>>, vector<16xi32>,
      %add3A_165 = arith.addi %mul3A_160, %get3A_164 : vector<16xi32>
      %mul3A_166 = arith.constant 16 : i32
      %mul3A_167 = arith.muli %scan3A_152, %mul3A_166 : i32
      %add3A_168 = arith.constant 2000 : i32
      %add3A_169 = arith.addi %add3A_168, %mul3A_167 : i32
      %swap3A_170 = arith.index_cast %add3A_169 : i32 to index
      %swap3A_171 = tpu.vector_load %arg6[%swap3A_170] {strides = array<i32>} : memref<10000xi32, #tpu.memory_space<vmem>>, vector<16xi32>,
      tpu.vector_store %arg6[%swap3A_170], %add3A_165 {strides = array<i32>} : memref<10000xi32, #tpu.memory_space<vmem>>, vector<16xi32>,
    }
    %scan3A_86 = arith.constant 125 : i32
    %mul3A_87 = arith.constant 10000 : i32
    %mul3A_88 = arith.muli %arg1, %mul3A_87 : i32
    %add3A_89 = arith.constant 4000 : i32
    %add3A_90 = arith.addi %mul3A_88, %add3A_89 : i32
    "tpu.region"() ({
      %run_scoped3A = tpu.sem_alloc : memref<!tpu.dma_semaphore, #tpu.memory_space<semaphore_mem>>
      %dma_start3A = tpu.memref_slice %arg3[%add3A_90] : memref<160000xi32, #tpu.memory_space<hbm>> -> memref<2000xi32, #tpu.memory_space<hbm>>
      %dma_start3A_152 = tpu.memref_slice %arg3[%add3A_90] : memref<160000xi32, #tpu.memory_space<hbm>> -> memref<2000xi32, #tpu.memory_space<hbm>>
      tpu.enqueue_dma source(%dma_start3A_152 : memref<2000xi32, #tpu.memory_space<hbm>>) target(%arg7 : memref<2000xi32, #tpu.memory_space<vmem>>) target_semaphore(%run_scoped3A : memref<!tpu.dma_semaphore, #tpu.memory_space<semaphore_mem>>)
      %dma_wait3A = tpu.memref_slice %arg3[%add3A_90] : memref<160000xi32, #tpu.memory_space<hbm>> -> memref<2000xi32, #tpu.memory_space<hbm>>
      %dma_wait3A_153 = tpu.memref_slice %arg3[%add3A_90] : memref<160000xi32, #tpu.memory_space<hbm>> -> memref<2000xi32, #tpu.memory_space<hbm>>
      tpu.wait_dma2 semaphore(%run_scoped3A : memref<!tpu.dma_semaphore, #tpu.memory_space<semaphore_mem>>) src(%dma_wait3A_153 : memref<2000xi32, #tpu.memory_space<hbm>>) dst(%arg7 : memref<2000xi32, #tpu.memory_space<vmem>>)
      tpu.yield
    }) : () -> ()
    %scan3A_91 = arith.constant 0 : i32
    %scan3A_92 = arith.constant 0 : i32
    %scan3A_93 = arith.constant 125 : i32
    %scan3A_94 = arith.addi %scan3A_92, %scan3A_93 : i32
    %scan3A_95 = arith.constant 1 : i32
    scf.for %scan3A_152 = %scan3A_92 to %scan3A_94 step %scan3A_95  : i32 {
      %mul3A_153 = arith.constant 16 : i32
      %mul3A_154 = arith.muli %scan3A_152, %mul3A_153 : i32
      %add3A_155 = arith.constant 4000 : i32
      %add3A_156 = arith.addi %add3A_155, %mul3A_154 : i32
      %get3A = arith.index_cast %add3A_156 : i32 to index
      %get3A_157 = tpu.vector_load %arg6[%get3A] {strides = array<i32>} : memref<10000xi32, #tpu.memory_space<vmem>>, vector<16xi32>,
      %mul3A_158 = arith.constant 10240 : i32
      %mul3A_159 = vector.broadcast %mul3A_158 : i32 to vector<16xi32>
      %mul3A_160 = arith.muli %get3A_157, %mul3A_159 : vector<16xi32>
      %mul3A_161 = arith.constant 16 : i32
      %mul3A_162 = arith.muli %scan3A_152, %mul3A_161 : i32
      %get3A_163 = arith.index_cast %mul3A_162 : i32 to index
      %get3A_164 = tpu.vector_load %arg7[%get3A_163] {strides = array<i32>} : memref<2000xi32, #tpu.memory_space<vmem>>, vector<16xi32>,
      %add3A_165 = arith.addi %mul3A_160, %get3A_164 : vector<16xi32>
      %mul3A_166 = arith.constant 16 : i32
      %mul3A_167 = arith.muli %scan3A_152, %mul3A_166 : i32
      %add3A_168 = arith.constant 4000 : i32
      %add3A_169 = arith.addi %add3A_168, %mul3A_167 : i32
      %swap3A_170 = arith.index_cast %add3A_169 : i32 to index
      %swap3A_171 = tpu.vector_load %arg6[%swap3A_170] {strides = array<i32>} : memref<10000xi32, #tpu.memory_space<vmem>>, vector<16xi32>,
      tpu.vector_store %arg6[%swap3A_170], %add3A_165 {strides = array<i32>} : memref<10000xi32, #tpu.memory_space<vmem>>, vector<16xi32>,
    }
    %scan3A_96 = arith.constant 125 : i32
    %mul3A_97 = arith.constant 10000 : i32
    %mul3A_98 = arith.muli %arg1, %mul3A_97 : i32
    %add3A_99 = arith.constant 6000 : i32
    %add3A_100 = arith.addi %mul3A_98, %add3A_99 : i32
    "tpu.region"() ({
      %run_scoped3A = tpu.sem_alloc : memref<!tpu.dma_semaphore, #tpu.memory_space<semaphore_mem>>
      %dma_start3A = tpu.memref_slice %arg3[%add3A_100] : memref<160000xi32, #tpu.memory_space<hbm>> -> memref<2000xi32, #tpu.memory_space<hbm>>
      %dma_start3A_152 = tpu.memref_slice %arg3[%add3A_100] : memref<160000xi32, #tpu.memory_space<hbm>> -> memref<2000xi32, #tpu.memory_space<hbm>>
      tpu.enqueue_dma source(%dma_start3A_152 : memref<2000xi32, #tpu.memory_space<hbm>>) target(%arg7 : memref<2000xi32, #tpu.memory_space<vmem>>) target_semaphore(%run_scoped3A : memref<!tpu.dma_semaphore, #tpu.memory_space<semaphore_mem>>)
      %dma_wait3A = tpu.memref_slice %arg3[%add3A_100] : memref<160000xi32, #tpu.memory_space<hbm>> -> memref<2000xi32, #tpu.memory_space<hbm>>
      %dma_wait3A_153 = tpu.memref_slice %arg3[%add3A_100] : memref<160000xi32, #tpu.memory_space<hbm>> -> memref<2000xi32, #tpu.memory_space<hbm>>
      tpu.wait_dma2 semaphore(%run_scoped3A : memref<!tpu.dma_semaphore, #tpu.memory_space<semaphore_mem>>) src(%dma_wait3A_153 : memref<2000xi32, #tpu.memory_space<hbm>>) dst(%arg7 : memref<2000xi32, #tpu.memory_space<vmem>>)
      tpu.yield
    }) : () -> ()
    %scan3A_101 = arith.constant 0 : i32
    %scan3A_102 = arith.constant 0 : i32
    %scan3A_103 = arith.constant 125 : i32
    %scan3A_104 = arith.addi %scan3A_102, %scan3A_103 : i32
    %scan3A_105 = arith.constant 1 : i32
    scf.for %scan3A_152 = %scan3A_102 to %scan3A_104 step %scan3A_105  : i32 {
      %mul3A_153 = arith.constant 16 : i32
      %mul3A_154 = arith.muli %scan3A_152, %mul3A_153 : i32
      %add3A_155 = arith.constant 6000 : i32
      %add3A_156 = arith.addi %add3A_155, %mul3A_154 : i32
      %get3A = arith.index_cast %add3A_156 : i32 to index
      %get3A_157 = tpu.vector_load %arg6[%get3A] {strides = array<i32>} : memref<10000xi32, #tpu.memory_space<vmem>>, vector<16xi32>,
      %mul3A_158 = arith.constant 10240 : i32
      %mul3A_159 = vector.broadcast %mul3A_158 : i32 to vector<16xi32>
      %mul3A_160 = arith.muli %get3A_157, %mul3A_159 : vector<16xi32>
      %mul3A_161 = arith.constant 16 : i32
      %mul3A_162 = arith.muli %scan3A_152, %mul3A_161 : i32
      %get3A_163 = arith.index_cast %mul3A_162 : i32 to index
      %get3A_164 = tpu.vector_load %arg7[%get3A_163] {strides = array<i32>} : memref<2000xi32, #tpu.memory_space<vmem>>, vector<16xi32>,
      %add3A_165 = arith.addi %mul3A_160, %get3A_164 : vector<16xi32>
      %mul3A_166 = arith.constant 16 : i32
      %mul3A_167 = arith.muli %scan3A_152, %mul3A_166 : i32
      %add3A_168 = arith.constant 6000 : i32
      %add3A_169 = arith.addi %add3A_168, %mul3A_167 : i32
      %swap3A_170 = arith.index_cast %add3A_169 : i32 to index
      %swap3A_171 = tpu.vector_load %arg6[%swap3A_170] {strides = array<i32>} : memref<10000xi32, #tpu.memory_space<vmem>>, vector<16xi32>,
      tpu.vector_store %arg6[%swap3A_170], %add3A_165 {strides = array<i32>} : memref<10000xi32, #tpu.memory_space<vmem>>, vector<16xi32>,
    }
    %scan3A_106 = arith.constant 125 : i32
    %mul3A_107 = arith.constant 10000 : i32
    %mul3A_108 = arith.muli %arg1, %mul3A_107 : i32
    %add3A_109 = arith.constant 8000 : i32
    %add3A_110 = arith.addi %mul3A_108, %add3A_109 : i32
    "tpu.region"() ({
      %run_scoped3A = tpu.sem_alloc : memref<!tpu.dma_semaphore, #tpu.memory_space<semaphore_mem>>
      %dma_start3A = tpu.memref_slice %arg3[%add3A_110] : memref<160000xi32, #tpu.memory_space<hbm>> -> memref<2000xi32, #tpu.memory_space<hbm>>
      %dma_start3A_152 = tpu.memref_slice %arg3[%add3A_110] : memref<160000xi32, #tpu.memory_space<hbm>> -> memref<2000xi32, #tpu.memory_space<hbm>>
      tpu.enqueue_dma source(%dma_start3A_152 : memref<2000xi32, #tpu.memory_space<hbm>>) target(%arg7 : memref<2000xi32, #tpu.memory_space<vmem>>) target_semaphore(%run_scoped3A : memref<!tpu.dma_semaphore, #tpu.memory_space<semaphore_mem>>)
      %dma_wait3A = tpu.memref_slice %arg3[%add3A_110] : memref<160000xi32, #tpu.memory_space<hbm>> -> memref<2000xi32, #tpu.memory_space<hbm>>
      %dma_wait3A_153 = tpu.memref_slice %arg3[%add3A_110] : memref<160000xi32, #tpu.memory_space<hbm>> -> memref<2000xi32, #tpu.memory_space<hbm>>
      tpu.wait_dma2 semaphore(%run_scoped3A : memref<!tpu.dma_semaphore, #tpu.memory_space<semaphore_mem>>) src(%dma_wait3A_153 : memref<2000xi32, #tpu.memory_space<hbm>>) dst(%arg7 : memref<2000xi32, #tpu.memory_space<vmem>>)
      tpu.yield
    }) : () -> ()
    %scan3A_111 = arith.constant 0 : i32
    %scan3A_112 = arith.constant 0 : i32
    %scan3A_113 = arith.constant 125 : i32
    %scan3A_114 = arith.addi %scan3A_112, %scan3A_113 : i32
    %scan3A_115 = arith.constant 1 : i32
    scf.for %scan3A_152 = %scan3A_112 to %scan3A_114 step %scan3A_115  : i32 {
      %mul3A_153 = arith.constant 16 : i32
      %mul3A_154 = arith.muli %scan3A_152, %mul3A_153 : i32
      %add3A_155 = arith.constant 8000 : i32
      %add3A_156 = arith.addi %add3A_155, %mul3A_154 : i32
      %get3A = arith.index_cast %add3A_156 : i32 to index
      %get3A_157 = tpu.vector_load %arg6[%get3A] {strides = array<i32>} : memref<10000xi32, #tpu.memory_space<vmem>>, vector<16xi32>,
      %mul3A_158 = arith.constant 10240 : i32
      %mul3A_159 = vector.broadcast %mul3A_158 : i32 to vector<16xi32>
      %mul3A_160 = arith.muli %get3A_157, %mul3A_159 : vector<16xi32>
      %mul3A_161 = arith.constant 16 : i32
      %mul3A_162 = arith.muli %scan3A_152, %mul3A_161 : i32
      %get3A_163 = arith.index_cast %mul3A_162 : i32 to index
      %get3A_164 = tpu.vector_load %arg7[%get3A_163] {strides = array<i32>} : memref<2000xi32, #tpu.memory_space<vmem>>, vector<16xi32>,
      %add3A_165 = arith.addi %mul3A_160, %get3A_164 : vector<16xi32>
      %mul3A_166 = arith.constant 16 : i32
      %mul3A_167 = arith.muli %scan3A_152, %mul3A_166 : i32
      %add3A_168 = arith.constant 8000 : i32
      %add3A_169 = arith.addi %add3A_168, %mul3A_167 : i32
      %swap3A_170 = arith.index_cast %add3A_169 : i32 to index
      %swap3A_171 = tpu.vector_load %arg6[%swap3A_170] {strides = array<i32>} : memref<10000xi32, #tpu.memory_space<vmem>>, vector<16xi32>,
      tpu.vector_store %arg6[%swap3A_170], %add3A_165 {strides = array<i32>} : memref<10000xi32, #tpu.memory_space<vmem>>, vector<16xi32>,
    }
    %scan3A_116 = arith.constant 125 : i32
    %add3A_117 = arith.constant 0 : i32
    %add3A_118 = arith.addi %arg1, %add3A_117 : i32
    %lt3A = arith.constant 64 : i32
    %lt3A_119 = arith.cmpi slt, %add3A_118, %lt3A : i32
    %convert_element_type3A = arith.extui %lt3A_119 : i1 to i32
    %cond3A = arith.constant 0 : i32
    %cond3A_120 = arith.cmpi ne, %convert_element_type3A, %cond3A : i32
    scf.if %cond3A_120 {
      %add3A_152 = arith.constant 0 : i32
      %add3A_153 = arith.addi %arg1, %add3A_152 : i32
      %mul3A_154 = arith.constant 20000 : i32
      %mul3A_155 = arith.muli %add3A_153, %mul3A_154 : i32
      "tpu.region"() ({
        %run_scoped3A = tpu.sem_alloc : memref<!tpu.dma_semaphore, #tpu.memory_space<semaphore_mem>>
        %dma_start3A = tpu.memref_slice %arg5[%mul3A_155] : memref<1280128xf32, #tpu.memory_space<vmem_shared>> -> memref<20000xf32, #tpu.memory_space<vmem_shared>>
        %dma_start3A_156 = tpu.memref_slice %arg5[%mul3A_155] : memref<1280128xf32, #tpu.memory_space<vmem_shared>> -> memref<20000xf32, #tpu.memory_space<vmem_shared>>
        tpu.enqueue_dma source(%arg11 : memref<20000xf32, #tpu.memory_space<vmem>>) target(%dma_start3A_156 : memref<20000xf32, #tpu.memory_space<vmem_shared>>) target_semaphore(%run_scoped3A : memref<!tpu.dma_semaphore, #tpu.memory_space<semaphore_mem>>)
        %dma_wait3A = tpu.memref_slice %arg5[%mul3A_155] : memref<1280128xf32, #tpu.memory_space<vmem_shared>> -> memref<20000xf32, #tpu.memory_space<vmem_shared>>
        %dma_wait3A_157 = tpu.memref_slice %arg5[%mul3A_155] : memref<1280128xf32, #tpu.memory_space<vmem_shared>> -> memref<20000xf32, #tpu.memory_space<vmem_shared>>
        tpu.wait_dma2 semaphore(%run_scoped3A : memref<!tpu.dma_semaphore, #tpu.memory_space<semaphore_mem>>) src(%arg11 : memref<20000xf32, #tpu.memory_space<vmem>>) dst(%dma_wait3A_157 : memref<20000xf32, #tpu.memory_space<vmem_shared>>)
        tpu.yield
      }) : () -> ()
    } else {
    }
    %add3A_121 = arith.constant 16 : i32
    %add3A_122 = arith.addi %arg1, %add3A_121 : i32
    %lt3A_123 = arith.constant 64 : i32
    %lt3A_124 = arith.cmpi slt, %add3A_122, %lt3A_123 : i32
    %convert_element_type3A_125 = arith.extui %lt3A_124 : i1 to i32
    %cond3A_126 = arith.constant 0 : i32
    %cond3A_127 = arith.cmpi ne, %convert_element_type3A_125, %cond3A_126 : i32
    scf.if %cond3A_127 {
      %add3A_152 = arith.constant 16 : i32
      %add3A_153 = arith.addi %arg1, %add3A_152 : i32
      %mul3A_154 = arith.constant 20000 : i32
      %mul3A_155 = arith.muli %add3A_153, %mul3A_154 : i32
      "tpu.region"() ({
        %run_scoped3A = tpu.sem_alloc : memref<!tpu.dma_semaphore, #tpu.memory_space<semaphore_mem>>
        %dma_start3A = tpu.memref_slice %arg5[%mul3A_155] : memref<1280128xf32, #tpu.memory_space<vmem_shared>> -> memref<20000xf32, #tpu.memory_space<vmem_shared>>
        %dma_start3A_156 = tpu.memref_slice %arg5[%mul3A_155] : memref<1280128xf32, #tpu.memory_space<vmem_shared>> -> memref<20000xf32, #tpu.memory_space<vmem_shared>>
        tpu.enqueue_dma source(%arg11 : memref<20000xf32, #tpu.memory_space<vmem>>) target(%dma_start3A_156 : memref<20000xf32, #tpu.memory_space<vmem_shared>>) target_semaphore(%run_scoped3A : memref<!tpu.dma_semaphore, #tpu.memory_space<semaphore_mem>>)
        %dma_wait3A = tpu.memref_slice %arg5[%mul3A_155] : memref<1280128xf32, #tpu.memory_space<vmem_shared>> -> memref<20000xf32, #tpu.memory_space<vmem_shared>>
        %dma_wait3A_157 = tpu.memref_slice %arg5[%mul3A_155] : memref<1280128xf32, #tpu.memory_space<vmem_shared>> -> memref<20000xf32, #tpu.memory_space<vmem_shared>>
        tpu.wait_dma2 semaphore(%run_scoped3A : memref<!tpu.dma_semaphore, #tpu.memory_space<semaphore_mem>>) src(%arg11 : memref<20000xf32, #tpu.memory_space<vmem>>) dst(%dma_wait3A_157 : memref<20000xf32, #tpu.memory_space<vmem_shared>>)
        tpu.yield
      }) : () -> ()
    } else {
    }
    %add3A_128 = arith.constant 32 : i32
    %add3A_129 = arith.addi %arg1, %add3A_128 : i32
    %lt3A_130 = arith.constant 64 : i32
    %lt3A_131 = arith.cmpi slt, %add3A_129, %lt3A_130 : i32
    %convert_element_type3A_132 = arith.extui %lt3A_131 : i1 to i32
    %cond3A_133 = arith.constant 0 : i32
    %cond3A_134 = arith.cmpi ne, %convert_element_type3A_132, %cond3A_133 : i32
    scf.if %cond3A_134 {
      %add3A_152 = arith.constant 32 : i32
      %add3A_153 = arith.addi %arg1, %add3A_152 : i32
      %mul3A_154 = arith.constant 20000 : i32
      %mul3A_155 = arith.muli %add3A_153, %mul3A_154 : i32
      "tpu.region"() ({
        %run_scoped3A = tpu.sem_alloc : memref<!tpu.dma_semaphore, #tpu.memory_space<semaphore_mem>>
        %dma_start3A = tpu.memref_slice %arg5[%mul3A_155] : memref<1280128xf32, #tpu.memory_space<vmem_shared>> -> memref<20000xf32, #tpu.memory_space<vmem_shared>>
        %dma_start3A_156 = tpu.memref_slice %arg5[%mul3A_155] : memref<1280128xf32, #tpu.memory_space<vmem_shared>> -> memref<20000xf32, #tpu.memory_space<vmem_shared>>
        tpu.enqueue_dma source(%arg11 : memref<20000xf32, #tpu.memory_space<vmem>>) target(%dma_start3A_156 : memref<20000xf32, #tpu.memory_space<vmem_shared>>) target_semaphore(%run_scoped3A : memref<!tpu.dma_semaphore, #tpu.memory_space<semaphore_mem>>)
        %dma_wait3A = tpu.memref_slice %arg5[%mul3A_155] : memref<1280128xf32, #tpu.memory_space<vmem_shared>> -> memref<20000xf32, #tpu.memory_space<vmem_shared>>
        %dma_wait3A_157 = tpu.memref_slice %arg5[%mul3A_155] : memref<1280128xf32, #tpu.memory_space<vmem_shared>> -> memref<20000xf32, #tpu.memory_space<vmem_shared>>
        tpu.wait_dma2 semaphore(%run_scoped3A : memref<!tpu.dma_semaphore, #tpu.memory_space<semaphore_mem>>) src(%arg11 : memref<20000xf32, #tpu.memory_space<vmem>>) dst(%dma_wait3A_157 : memref<20000xf32, #tpu.memory_space<vmem_shared>>)
        tpu.yield
      }) : () -> ()
    } else {
    }
    %add3A_135 = arith.constant 48 : i32
    %add3A_136 = arith.addi %arg1, %add3A_135 : i32
    %lt3A_137 = arith.constant 64 : i32
    %lt3A_138 = arith.cmpi slt, %add3A_136, %lt3A_137 : i32
    %convert_element_type3A_139 = arith.extui %lt3A_138 : i1 to i32
    %cond3A_140 = arith.constant 0 : i32
    %cond3A_141 = arith.cmpi ne, %convert_element_type3A_139, %cond3A_140 : i32
    scf.if %cond3A_141 {
      %add3A_152 = arith.constant 48 : i32
      %add3A_153 = arith.addi %arg1, %add3A_152 : i32
      %mul3A_154 = arith.constant 20000 : i32
      %mul3A_155 = arith.muli %add3A_153, %mul3A_154 : i32
      "tpu.region"() ({
        %run_scoped3A = tpu.sem_alloc : memref<!tpu.dma_semaphore, #tpu.memory_space<semaphore_mem>>
        %dma_start3A = tpu.memref_slice %arg5[%mul3A_155] : memref<1280128xf32, #tpu.memory_space<vmem_shared>> -> memref<20000xf32, #tpu.memory_space<vmem_shared>>
        %dma_start3A_156 = tpu.memref_slice %arg5[%mul3A_155] : memref<1280128xf32, #tpu.memory_space<vmem_shared>> -> memref<20000xf32, #tpu.memory_space<vmem_shared>>
        tpu.enqueue_dma source(%arg11 : memref<20000xf32, #tpu.memory_space<vmem>>) target(%dma_start3A_156 : memref<20000xf32, #tpu.memory_space<vmem_shared>>) target_semaphore(%run_scoped3A : memref<!tpu.dma_semaphore, #tpu.memory_space<semaphore_mem>>)
        %dma_wait3A = tpu.memref_slice %arg5[%mul3A_155] : memref<1280128xf32, #tpu.memory_space<vmem_shared>> -> memref<20000xf32, #tpu.memory_space<vmem_shared>>
        %dma_wait3A_157 = tpu.memref_slice %arg5[%mul3A_155] : memref<1280128xf32, #tpu.memory_space<vmem_shared>> -> memref<20000xf32, #tpu.memory_space<vmem_shared>>
        tpu.wait_dma2 semaphore(%run_scoped3A : memref<!tpu.dma_semaphore, #tpu.memory_space<semaphore_mem>>) src(%arg11 : memref<20000xf32, #tpu.memory_space<vmem>>) dst(%dma_wait3A_157 : memref<20000xf32, #tpu.memory_space<vmem_shared>>)
        tpu.yield
      }) : () -> ()
    } else {
    }
    %eq3A = arith.constant 0 : i32
    %eq3A_142 = arith.cmpi eq, %arg1, %eq3A : i32
    %convert_element_type3A_143 = arith.extui %eq3A_142 : i1 to i32
    %cond3A_144 = arith.constant 0 : i32
    %cond3A_145 = arith.cmpi ne, %convert_element_type3A_143, %cond3A_144 : i32
    scf.if %cond3A_145 {
      "tpu.region"() ({
        %run_scoped3A = tpu.sem_alloc : memref<!tpu.dma_semaphore, #tpu.memory_space<semaphore_mem>>
        %dma_start3A = arith.constant 0 : i32
        %dma_start3A_152 = tpu.memref_slice %arg11[%dma_start3A] : memref<20000xf32, #tpu.memory_space<vmem>> -> memref<128xf32, #tpu.memory_space<vmem>>
        %dma_start3A_153 = arith.constant 1280000 : i32
        %dma_start3A_154 = tpu.memref_slice %arg5[%dma_start3A_153] : memref<1280128xf32, #tpu.memory_space<vmem_shared>> -> memref<128xf32, #tpu.memory_space<vmem_shared>>
        %dma_start3A_155 = arith.constant 1280000 : i32
        %dma_start3A_156 = tpu.memref_slice %arg5[%dma_start3A_155] : memref<1280128xf32, #tpu.memory_space<vmem_shared>> -> memref<128xf32, #tpu.memory_space<vmem_shared>>
        %dma_start3A_157 = arith.constant 0 : i32
        %dma_start3A_158 = tpu.memref_slice %arg11[%dma_start3A_157] : memref<20000xf32, #tpu.memory_space<vmem>> -> memref<128xf32, #tpu.memory_space<vmem>>
        tpu.enqueue_dma source(%dma_start3A_158 : memref<128xf32, #tpu.memory_space<vmem>>) target(%dma_start3A_156 : memref<128xf32, #tpu.memory_space<vmem_shared>>) target_semaphore(%run_scoped3A : memref<!tpu.dma_semaphore, #tpu.memory_space<semaphore_mem>>)
        %dma_wait3A = arith.constant 0 : i32
        %dma_wait3A_159 = tpu.memref_slice %arg11[%dma_wait3A] : memref<20000xf32, #tpu.memory_space<vmem>> -> memref<128xf32, #tpu.memory_space<vmem>>
        %dma_wait3A_160 = arith.constant 1280000 : i32
        %dma_wait3A_161 = tpu.memref_slice %arg5[%dma_wait3A_160] : memref<1280128xf32, #tpu.memory_space<vmem_shared>> -> memref<128xf32, #tpu.memory_space<vmem_shared>>
        %dma_wait3A_162 = arith.constant 1280000 : i32
        %dma_wait3A_163 = tpu.memref_slice %arg5[%dma_wait3A_162] : memref<1280128xf32, #tpu.memory_space<vmem_shared>> -> memref<128xf32, #tpu.memory_space<vmem_shared>>
        %dma_wait3A_164 = arith.constant 0 : i32
        %dma_wait3A_165 = tpu.memref_slice %arg11[%dma_wait3A_164] : memref<20000xf32, #tpu.memory_space<vmem>> -> memref<128xf32, #tpu.memory_space<vmem>>
        tpu.wait_dma2 semaphore(%run_scoped3A : memref<!tpu.dma_semaphore, #tpu.memory_space<semaphore_mem>>) src(%dma_wait3A_165 : memref<128xf32, #tpu.memory_space<vmem>>) dst(%dma_wait3A_163 : memref<128xf32, #tpu.memory_space<vmem_shared>>)
        tpu.yield
      }) : () -> ()
    } else {
    }
    %barrier3A = arith.constant 0 : index
    tpu.barrier barrier_id(%barrier3A)
    %scan3A_146 = arith.constant 0 : i32
    %scan3A_147 = arith.constant 0 : i32
    %scan3A_148 = arith.constant 40 : i32
    %scan3A_149 = arith.addi %scan3A_147, %scan3A_148 : i32
    %scan3A_150 = arith.constant 1 : i32
    scf.for %scan3A_152 = %scan3A_147 to %scan3A_149 step %scan3A_150  : i32 {
      %mul3A_153 = arith.constant 2560000 : i32
      %mul3A_154 = arith.muli %scan3A_152, %mul3A_153 : i32
      %mul3A_155 = arith.constant 1280000 : i32
      %mul3A_156 = arith.muli %arg0, %mul3A_155 : i32
      %add3A_157 = arith.addi %mul3A_154, %mul3A_156 : i32
      %scan3A_158 = arith.constant 0 : i32
      %scan3A_159 = arith.constant 0 : i32
      %scan3A_160 = arith.constant 625 : i32
      %scan3A_161 = arith.addi %scan3A_159, %scan3A_160 : i32
      %scan3A_162 = arith.constant 1 : i32
      %scan3A_163 = scf.for %scan3A_336 = %scan3A_159 to %scan3A_161 step %scan3A_162 iter_args(%scan3A_337 = %scan3A_158) -> (i32)  : i32 {
        %mul3A_338 = arith.constant 16 : i32
        %mul3A_339 = arith.muli %scan3A_336, %mul3A_338 : i32
        %get3A = arith.index_cast %mul3A_339 : i32 to index
        %get3A_340 = tpu.vector_load %arg6[%get3A] {strides = array<i32>} : memref<10000xi32, #tpu.memory_space<vmem>>, vector<16xi32>,
        %sub3A_341 = vector.broadcast %add3A_157 : i32 to vector<16xi32>
        %sub3A_342 = arith.subi %get3A_340, %sub3A_341 : vector<16xi32>
        %ge3A = arith.constant 0 : i32
        %ge3A_343 = vector.broadcast %ge3A : i32 to vector<16xi32>
        %ge3A_344 = arith.cmpi sge, %sub3A_342, %ge3A_343 : vector<16xi32>
        %lt3A_345 = arith.constant 1280000 : i32
        %lt3A_346 = vector.broadcast %lt3A_345 : i32 to vector<16xi32>
        %lt3A_347 = arith.cmpi slt, %sub3A_342, %lt3A_346 : vector<16xi32>
        %and3A_348 = arith.andi %ge3A_344, %lt3A_347 : vector<16xi1>
        %all_reduce_population_count3A = tpu.all_reduce %and3A_348 {dim = 0 : i64, kind = #tpu.reduction_kind<sum>} : vector<16xi1> -> vector<16xi32>
        %jit3A_349 = arith.constant 0 : i32
        %jit3A_350 = arith.constant 1 : i32
        %broadcast_in_dim3A_351 = vector.broadcast %jit3A_349 : i32 to vector<16xi32>
        %broadcast_in_dim3A_352 = vector.broadcast %jit3A_350 : i32 to vector<16xi32>
        %select_n3A_353 = arith.select %and3A_348, %broadcast_in_dim3A_351, %broadcast_in_dim3A_352 : vector<16xi1>, vector<16xi32>
        %masked_sort3A = arith.constant dense<true> : vector<16xi1>
        %masked_sort3A_354 = arith.constant -2147483648 : i32
        %masked_sort3A_355 = vector.broadcast %masked_sort3A_354 : i32 to vector<16xi32>
        %masked_sort3A_356 = arith.xori %select_n3A_353, %masked_sort3A_355 : vector<16xi32>
        %masked_sort3A_357, %masked_sort3A_358, %masked_sort3A_359 = tpu.sort %masked_sort3A_356, %sub3A_342 masked %masked_sort3A : (vector<16xi32>, vector<16xi32>, vector<16xi1>) -> (vector<16xi1>, vector<16xi32>, vector<16xi32>)
        %masked_sort3A_360 = arith.xori %masked_sort3A_358, %masked_sort3A_355 : vector<16xi32>
        %add3A_361 = vector.broadcast %scan3A_337 : i32 to vector<16xi32>
        %add3A_362 = arith.addi %add3A_361, %iota3A : vector<16xi32>
        %shift_right_arithmetic3A_363 = arith.constant 7 : i32
        %shift_right_arithmetic3A_364 = vector.broadcast %shift_right_arithmetic3A_363 : i32 to vector<16xi32>
        %shift_right_arithmetic3A_365 = arith.shrsi %add3A_362, %shift_right_arithmetic3A_364 : vector<16xi32>
        %and3A_366 = arith.constant 127 : i32
        %and3A_367 = vector.broadcast %and3A_366 : i32 to vector<16xi32>
        %and3A_368 = arith.andi %add3A_362, %and3A_367 : vector<16xi32>
        tpu.vector_store_idx %arg8[%shift_right_arithmetic3A_365, %and3A_368], %masked_sort3A_359 : memref<80x128xi32, #tpu.memory_space<vmem>>[vector<16xi32>, vector<16xi32>], vector<16xi32>,
        %slice3A = vector.extract_strided_slice %all_reduce_population_count3A {offsets = [0], sizes = [1], strides = [1]} : vector<16xi32> to vector<1xi32>
        %squeeze3A = vector.extract %slice3A[0] : i32 from vector<1xi32>
        %add3A_369 = arith.addi %scan3A_337, %squeeze3A : i32
        scf.yield %add3A_369 : i32
      }
      %scan3A_164 = arith.constant 625 : i32
      %add3A_165 = arith.constant 0 : i32
      %add3A_166 = arith.addi %scan3A_163, %add3A_165 : i32
      %add3A_167 = vector.broadcast %add3A_166 : i32 to vector<16xi32>
      %add3A_168 = arith.addi %add3A_167, %iota3A : vector<16xi32>
      %shift_right_arithmetic3A = arith.constant 7 : i32
      %shift_right_arithmetic3A_169 = vector.broadcast %shift_right_arithmetic3A : i32 to vector<16xi32>
      %shift_right_arithmetic3A_170 = arith.shrsi %add3A_168, %shift_right_arithmetic3A_169 : vector<16xi32>
      %and3A = arith.constant 127 : i32
      %and3A_171 = vector.broadcast %and3A : i32 to vector<16xi32>
      %and3A_172 = arith.andi %add3A_168, %and3A_171 : vector<16xi32>
      %add3A_173 = arith.constant 1280000 : i32
      %add3A_174 = vector.broadcast %add3A_173 : i32 to vector<16xi32>
      %add3A_175 = arith.addi %add3A_174, %iota3A : vector<16xi32>
      tpu.vector_store_idx %arg8[%shift_right_arithmetic3A_170, %and3A_172], %add3A_175 : memref<80x128xi32, #tpu.memory_space<vmem>>[vector<16xi32>, vector<16xi32>], vector<16xi32>,
      %add3A_176 = arith.constant 16 : i32
      %add3A_177 = arith.addi %scan3A_163, %add3A_176 : i32
      %add3A_178 = vector.broadcast %add3A_177 : i32 to vector<16xi32>
      %add3A_179 = arith.addi %add3A_178, %iota3A : vector<16xi32>
      %shift_right_arithmetic3A_180 = arith.constant 7 : i32
      %shift_right_arithmetic3A_181 = vector.broadcast %shift_right_arithmetic3A_180 : i32 to vector<16xi32>
      %shift_right_arithmetic3A_182 = arith.shrsi %add3A_179, %shift_right_arithmetic3A_181 : vector<16xi32>
      %and3A_183 = arith.constant 127 : i32
      %and3A_184 = vector.broadcast %and3A_183 : i32 to vector<16xi32>
      %and3A_185 = arith.andi %add3A_179, %and3A_184 : vector<16xi32>
      %add3A_186 = arith.constant 1280016 : i32
      %add3A_187 = vector.broadcast %add3A_186 : i32 to vector<16xi32>
      %add3A_188 = arith.addi %add3A_187, %iota3A : vector<16xi32>
      tpu.vector_store_idx %arg8[%shift_right_arithmetic3A_182, %and3A_185], %add3A_188 : memref<80x128xi32, #tpu.memory_space<vmem>>[vector<16xi32>, vector<16xi32>], vector<16xi32>,
      %add3A_189 = arith.constant 32 : i32
      %add3A_190 = arith.addi %scan3A_163, %add3A_189 : i32
      %add3A_191 = vector.broadcast %add3A_190 : i32 to vector<16xi32>
      %add3A_192 = arith.addi %add3A_191, %iota3A : vector<16xi32>
      %shift_right_arithmetic3A_193 = arith.constant 7 : i32
      %shift_right_arithmetic3A_194 = vector.broadcast %shift_right_arithmetic3A_193 : i32 to vector<16xi32>
      %shift_right_arithmetic3A_195 = arith.shrsi %add3A_192, %shift_right_arithmetic3A_194 : vector<16xi32>
      %and3A_196 = arith.constant 127 : i32
      %and3A_197 = vector.broadcast %and3A_196 : i32 to vector<16xi32>
      %and3A_198 = arith.andi %add3A_192, %and3A_197 : vector<16xi32>
      %add3A_199 = arith.constant 1280032 : i32
      %add3A_200 = vector.broadcast %add3A_199 : i32 to vector<16xi32>
      %add3A_201 = arith.addi %add3A_200, %iota3A : vector<16xi32>
      tpu.vector_store_idx %arg8[%shift_right_arithmetic3A_195, %and3A_198], %add3A_201 : memref<80x128xi32, #tpu.memory_space<vmem>>[vector<16xi32>, vector<16xi32>], vector<16xi32>,
      %add3A_202 = arith.constant 48 : i32
      %add3A_203 = arith.addi %scan3A_163, %add3A_202 : i32
      %add3A_204 = vector.broadcast %add3A_203 : i32 to vector<16xi32>
      %add3A_205 = arith.addi %add3A_204, %iota3A : vector<16xi32>
      %shift_right_arithmetic3A_206 = arith.constant 7 : i32
      %shift_right_arithmetic3A_207 = vector.broadcast %shift_right_arithmetic3A_206 : i32 to vector<16xi32>
      %shift_right_arithmetic3A_208 = arith.shrsi %add3A_205, %shift_right_arithmetic3A_207 : vector<16xi32>
      %and3A_209 = arith.constant 127 : i32
      %and3A_210 = vector.broadcast %and3A_209 : i32 to vector<16xi32>
      %and3A_211 = arith.andi %add3A_205, %and3A_210 : vector<16xi32>
      %add3A_212 = arith.constant 1280048 : i32
      %add3A_213 = vector.broadcast %add3A_212 : i32 to vector<16xi32>
      %add3A_214 = arith.addi %add3A_213, %iota3A : vector<16xi32>
      tpu.vector_store_idx %arg8[%shift_right_arithmetic3A_208, %and3A_211], %add3A_214 : memref<80x128xi32, #tpu.memory_space<vmem>>[vector<16xi32>, vector<16xi32>], vector<16xi32>,
      %add3A_215 = arith.constant 64 : i32
      %add3A_216 = arith.addi %scan3A_163, %add3A_215 : i32
      %add3A_217 = vector.broadcast %add3A_216 : i32 to vector<16xi32>
      %add3A_218 = arith.addi %add3A_217, %iota3A : vector<16xi32>
      %shift_right_arithmetic3A_219 = arith.constant 7 : i32
      %shift_right_arithmetic3A_220 = vector.broadcast %shift_right_arithmetic3A_219 : i32 to vector<16xi32>
      %shift_right_arithmetic3A_221 = arith.shrsi %add3A_218, %shift_right_arithmetic3A_220 : vector<16xi32>
      %and3A_222 = arith.constant 127 : i32
      %and3A_223 = vector.broadcast %and3A_222 : i32 to vector<16xi32>
      %and3A_224 = arith.andi %add3A_218, %and3A_223 : vector<16xi32>
      %add3A_225 = arith.constant 1280064 : i32
      %add3A_226 = vector.broadcast %add3A_225 : i32 to vector<16xi32>
      %add3A_227 = arith.addi %add3A_226, %iota3A : vector<16xi32>
      tpu.vector_store_idx %arg8[%shift_right_arithmetic3A_221, %and3A_224], %add3A_227 : memref<80x128xi32, #tpu.memory_space<vmem>>[vector<16xi32>, vector<16xi32>], vector<16xi32>,
      %add3A_228 = arith.constant 80 : i32
      %add3A_229 = arith.addi %scan3A_163, %add3A_228 : i32
      %add3A_230 = vector.broadcast %add3A_229 : i32 to vector<16xi32>
      %add3A_231 = arith.addi %add3A_230, %iota3A : vector<16xi32>
      %shift_right_arithmetic3A_232 = arith.constant 7 : i32
      %shift_right_arithmetic3A_233 = vector.broadcast %shift_right_arithmetic3A_232 : i32 to vector<16xi32>
      %shift_right_arithmetic3A_234 = arith.shrsi %add3A_231, %shift_right_arithmetic3A_233 : vector<16xi32>
      %and3A_235 = arith.constant 127 : i32
      %and3A_236 = vector.broadcast %and3A_235 : i32 to vector<16xi32>
      %and3A_237 = arith.andi %add3A_231, %and3A_236 : vector<16xi32>
      %add3A_238 = arith.constant 1280080 : i32
      %add3A_239 = vector.broadcast %add3A_238 : i32 to vector<16xi32>
      %add3A_240 = arith.addi %add3A_239, %iota3A : vector<16xi32>
      tpu.vector_store_idx %arg8[%shift_right_arithmetic3A_234, %and3A_237], %add3A_240 : memref<80x128xi32, #tpu.memory_space<vmem>>[vector<16xi32>, vector<16xi32>], vector<16xi32>,
      %add3A_241 = arith.constant 96 : i32
      %add3A_242 = arith.addi %scan3A_163, %add3A_241 : i32
      %add3A_243 = vector.broadcast %add3A_242 : i32 to vector<16xi32>
      %add3A_244 = arith.addi %add3A_243, %iota3A : vector<16xi32>
      %shift_right_arithmetic3A_245 = arith.constant 7 : i32
      %shift_right_arithmetic3A_246 = vector.broadcast %shift_right_arithmetic3A_245 : i32 to vector<16xi32>
      %shift_right_arithmetic3A_247 = arith.shrsi %add3A_244, %shift_right_arithmetic3A_246 : vector<16xi32>
      %and3A_248 = arith.constant 127 : i32
      %and3A_249 = vector.broadcast %and3A_248 : i32 to vector<16xi32>
      %and3A_250 = arith.andi %add3A_244, %and3A_249 : vector<16xi32>
      %add3A_251 = arith.constant 1280096 : i32
      %add3A_252 = vector.broadcast %add3A_251 : i32 to vector<16xi32>
      %add3A_253 = arith.addi %add3A_252, %iota3A : vector<16xi32>
      tpu.vector_store_idx %arg8[%shift_right_arithmetic3A_247, %and3A_250], %add3A_253 : memref<80x128xi32, #tpu.memory_space<vmem>>[vector<16xi32>, vector<16xi32>], vector<16xi32>,
      %add3A_254 = arith.constant 112 : i32
      %add3A_255 = arith.addi %scan3A_163, %add3A_254 : i32
      %add3A_256 = vector.broadcast %add3A_255 : i32 to vector<16xi32>
      %add3A_257 = arith.addi %add3A_256, %iota3A : vector<16xi32>
      %shift_right_arithmetic3A_258 = arith.constant 7 : i32
      %shift_right_arithmetic3A_259 = vector.broadcast %shift_right_arithmetic3A_258 : i32 to vector<16xi32>
      %shift_right_arithmetic3A_260 = arith.shrsi %add3A_257, %shift_right_arithmetic3A_259 : vector<16xi32>
      %and3A_261 = arith.constant 127 : i32
      %and3A_262 = vector.broadcast %and3A_261 : i32 to vector<16xi32>
      %and3A_263 = arith.andi %add3A_257, %and3A_262 : vector<16xi32>
      %add3A_264 = arith.constant 1280112 : i32
      %add3A_265 = vector.broadcast %add3A_264 : i32 to vector<16xi32>
      %add3A_266 = arith.addi %add3A_265, %iota3A : vector<16xi32>
      tpu.vector_store_idx %arg8[%shift_right_arithmetic3A_260, %and3A_263], %add3A_266 : memref<80x128xi32, #tpu.memory_space<vmem>>[vector<16xi32>, vector<16xi32>], vector<16xi32>,
      %add3A_267 = arith.constant 127 : i32
      %add3A_268 = arith.addi %scan3A_163, %add3A_267 : i32
      %jit3A = arith.constant 128 : i32
      %div3A = arith.divsi %add3A_268, %jit3A : i32
      %sign3A = arith.constant 0 : i32
      %sign3A_269 = arith.cmpi sgt, %add3A_268, %sign3A : i32
      %sign3A_270 = arith.extui %sign3A_269 : i1 to i32
      %sign3A_271 = arith.constant 0 : i32
      %sign3A_272 = arith.cmpi slt, %add3A_268, %sign3A_271 : i32
      %sign3A_273 = arith.extui %sign3A_272 : i1 to i32
      %sign3A_274 = arith.subi %sign3A_270, %sign3A_273 : i32
      %sign3A_275 = arith.constant 0 : i32
      %sign3A_276 = arith.cmpi sgt, %jit3A, %sign3A_275 : i32
      %sign3A_277 = arith.extui %sign3A_276 : i1 to i32
      %sign3A_278 = arith.constant 0 : i32
      %sign3A_279 = arith.cmpi slt, %jit3A, %sign3A_278 : i32
      %sign3A_280 = arith.extui %sign3A_279 : i1 to i32
      %sign3A_281 = arith.subi %sign3A_277, %sign3A_280 : i32
      %ne3A = arith.cmpi ne, %sign3A_274, %sign3A_281 : i32
      %rem3A = arith.remsi %add3A_268, %jit3A : i32
      %ne3A_282 = arith.constant 0 : i32
      %ne3A_283 = arith.cmpi ne, %rem3A, %ne3A_282 : i32
      %and3A_284 = arith.andi %ne3A, %ne3A_283 : i1
      %sub3A = arith.constant 1 : i32
      %sub3A_285 = arith.subi %div3A, %sub3A : i32
      %select_n3A = arith.select %and3A_284, %sub3A_285, %div3A : i32
      %while3A = arith.constant 0 : i32
      %while3A_286 = arith.constant 0 : i32
      %while3A_287 = arith.subi %select_n3A, %while3A_286 : i32
      %while3A_288 = arith.addi %while3A_286, %while3A_287 : i32
      %while3A_289 = arith.constant 1 : i32
      %while3A_290 = arith.divsi %while3A_287, %while3A_289 : i32
      %while3A_291 = arith.muli %while3A_290, %while3A_289 : i32
      %while3A_292 = arith.addi %while3A_286, %while3A_291 : i32
      %while3A_293 = arith.constant 1 : i32
      scf.for %while3A_336 = %while3A_286 to %while3A_292 step %while3A_293  : i32 {
        "tpu.region"() ({
          %run_scoped3A = tpu.sem_alloc : memref<!tpu.dma_semaphore, #tpu.memory_space<semaphore_mem>>
          %dma_start3A = arith.constant 0 : i32
          %dma_start3A_337 = tpu.memref_slice %arg8[%while3A_336, %dma_start3A] : memref<80x128xi32, #tpu.memory_space<vmem>> -> memref<1x128xi32, #tpu.memory_space<vmem>>
          %dma_start3A_338 = tpu.memref_squeeze %dma_start3A_337 : memref<1x128xi32, #tpu.memory_space<vmem>> -> memref<128xi32, #tpu.memory_space<vmem>>
          %dma_start3A_339 = arith.constant 0 : i32
          %dma_start3A_340 = tpu.memref_slice %arg5[%dma_start3A_339] : memref<1280128xf32, #tpu.memory_space<vmem_shared>> -> memref<1280128xf32, #tpu.memory_space<vmem_shared>>
          tpu.enqueue_indirect_dma source(%arg9 : memref<128xf32, #tpu.memory_space<vmem>>) target(%dma_start3A_340 : memref<1280128xf32, #tpu.memory_space<vmem_shared>>) offsets(%dma_start3A_338 : memref<128xi32, #tpu.memory_space<vmem>>) semaphore(%run_scoped3A : memref<!tpu.dma_semaphore, #tpu.memory_space<semaphore_mem>>) {add = true}
          %dma_wait3A = arith.constant 0 : i32
          %dma_wait3A_341 = tpu.memref_slice %arg8[%while3A_336, %dma_wait3A] : memref<80x128xi32, #tpu.memory_space<vmem>> -> memref<1x128xi32, #tpu.memory_space<vmem>>
          %dma_wait3A_342 = tpu.memref_squeeze %dma_wait3A_341 : memref<1x128xi32, #tpu.memory_space<vmem>> -> memref<128xi32, #tpu.memory_space<vmem>>
          %dma_wait3A_343 = arith.constant 0 : i32
          %dma_wait3A_344 = tpu.memref_slice %arg5[%dma_wait3A_343] : memref<1280128xf32, #tpu.memory_space<vmem_shared>> -> memref<1280128xf32, #tpu.memory_space<vmem_shared>>
          tpu.wait_indirect_dma semaphore(%run_scoped3A : memref<!tpu.dma_semaphore, #tpu.memory_space<semaphore_mem>>) src(%arg9 : memref<128xf32, #tpu.memory_space<vmem>>) dst(%dma_wait3A_344 : memref<1280128xf32, #tpu.memory_space<vmem_shared>>)
          tpu.yield
        }) : () -> ()
      }
      %while3A_294 = arith.constant 1 : i32
      scf.for %while3A_336 = %while3A_292 to %while3A_288 step %while3A_294  : i32 {
        "tpu.region"() ({
          %run_scoped3A = tpu.sem_alloc : memref<!tpu.dma_semaphore, #tpu.memory_space<semaphore_mem>>
          %dma_start3A = arith.constant 0 : i32
          %dma_start3A_337 = tpu.memref_slice %arg8[%while3A_336, %dma_start3A] : memref<80x128xi32, #tpu.memory_space<vmem>> -> memref<1x128xi32, #tpu.memory_space<vmem>>
          %dma_start3A_338 = tpu.memref_squeeze %dma_start3A_337 : memref<1x128xi32, #tpu.memory_space<vmem>> -> memref<128xi32, #tpu.memory_space<vmem>>
          %dma_start3A_339 = arith.constant 0 : i32
          %dma_start3A_340 = tpu.memref_slice %arg5[%dma_start3A_339] : memref<1280128xf32, #tpu.memory_space<vmem_shared>> -> memref<1280128xf32, #tpu.memory_space<vmem_shared>>
          tpu.enqueue_indirect_dma source(%arg9 : memref<128xf32, #tpu.memory_space<vmem>>) target(%dma_start3A_340 : memref<1280128xf32, #tpu.memory_space<vmem_shared>>) offsets(%dma_start3A_338 : memref<128xi32, #tpu.memory_space<vmem>>) semaphore(%run_scoped3A : memref<!tpu.dma_semaphore, #tpu.memory_space<semaphore_mem>>) {add = true}
          %dma_wait3A = arith.constant 0 : i32
          %dma_wait3A_341 = tpu.memref_slice %arg8[%while3A_336, %dma_wait3A] : memref<80x128xi32, #tpu.memory_space<vmem>> -> memref<1x128xi32, #tpu.memory_space<vmem>>
          %dma_wait3A_342 = tpu.memref_squeeze %dma_wait3A_341 : memref<1x128xi32, #tpu.memory_space<vmem>> -> memref<128xi32, #tpu.memory_space<vmem>>
          %dma_wait3A_343 = arith.constant 0 : i32
          %dma_wait3A_344 = tpu.memref_slice %arg5[%dma_wait3A_343] : memref<1280128xf32, #tpu.memory_space<vmem_shared>> -> memref<1280128xf32, #tpu.memory_space<vmem_shared>>
          tpu.wait_indirect_dma semaphore(%run_scoped3A : memref<!tpu.dma_semaphore, #tpu.memory_space<semaphore_mem>>) src(%arg9 : memref<128xf32, #tpu.memory_space<vmem>>) dst(%dma_wait3A_344 : memref<1280128xf32, #tpu.memory_space<vmem_shared>>)
          tpu.yield
        }) : () -> ()
      }
      %barrier3A_295 = arith.constant 0 : index
      tpu.barrier barrier_id(%barrier3A_295)
      %add3A_296 = arith.constant 0 : i32
      %add3A_297 = arith.addi %arg1, %add3A_296 : i32
      %lt3A_298 = arith.constant 64 : i32
      %lt3A_299 = arith.cmpi slt, %add3A_297, %lt3A_298 : i32
      %convert_element_type3A_300 = arith.extui %lt3A_299 : i1 to i32
      %cond3A_301 = arith.constant 0 : i32
      %cond3A_302 = arith.cmpi ne, %convert_element_type3A_300, %cond3A_301 : i32
      scf.if %cond3A_302 {
        %add3A_336 = arith.constant 0 : i32
        %add3A_337 = arith.addi %arg1, %add3A_336 : i32
        %mul3A_338 = arith.constant 20000 : i32
        %mul3A_339 = arith.muli %add3A_337, %mul3A_338 : i32
        "tpu.region"() ({
          %run_scoped3A = tpu.sem_alloc : memref<!tpu.dma_semaphore, #tpu.memory_space<semaphore_mem>>
          %dma_start3A = tpu.memref_slice %arg5[%mul3A_339] : memref<1280128xf32, #tpu.memory_space<vmem_shared>> -> memref<20000xf32, #tpu.memory_space<vmem_shared>>
          %dma_start3A_341 = tpu.memref_slice %arg5[%mul3A_339] : memref<1280128xf32, #tpu.memory_space<vmem_shared>> -> memref<20000xf32, #tpu.memory_space<vmem_shared>>
          tpu.enqueue_dma source(%dma_start3A_341 : memref<20000xf32, #tpu.memory_space<vmem_shared>>) target(%arg11 : memref<20000xf32, #tpu.memory_space<vmem>>) target_semaphore(%run_scoped3A : memref<!tpu.dma_semaphore, #tpu.memory_space<semaphore_mem>>)
          %dma_wait3A = tpu.memref_slice %arg5[%mul3A_339] : memref<1280128xf32, #tpu.memory_space<vmem_shared>> -> memref<20000xf32, #tpu.memory_space<vmem_shared>>
          %dma_wait3A_342 = tpu.memref_slice %arg5[%mul3A_339] : memref<1280128xf32, #tpu.memory_space<vmem_shared>> -> memref<20000xf32, #tpu.memory_space<vmem_shared>>
          tpu.wait_dma2 semaphore(%run_scoped3A : memref<!tpu.dma_semaphore, #tpu.memory_space<semaphore_mem>>) src(%dma_wait3A_342 : memref<20000xf32, #tpu.memory_space<vmem_shared>>) dst(%arg11 : memref<20000xf32, #tpu.memory_space<vmem>>)
          tpu.yield
        }) : () -> ()
        %add3A_340 = arith.addi %add3A_157, %mul3A_339 : i32
        "tpu.region"() ({
          %run_scoped3A = tpu.sem_alloc : memref<!tpu.dma_semaphore, #tpu.memory_space<semaphore_mem>>
          %dma_start3A = tpu.memref_slice %arg4[%add3A_340] : memref<102400000xf32, #tpu.memory_space<hbm>> -> memref<20000xf32, #tpu.memory_space<hbm>>
          %dma_start3A_341 = tpu.memref_slice %arg4[%add3A_340] : memref<102400000xf32, #tpu.memory_space<hbm>> -> memref<20000xf32, #tpu.memory_space<hbm>>
          tpu.enqueue_dma source(%arg11 : memref<20000xf32, #tpu.memory_space<vmem>>) target(%dma_start3A_341 : memref<20000xf32, #tpu.memory_space<hbm>>) target_semaphore(%run_scoped3A : memref<!tpu.dma_semaphore, #tpu.memory_space<semaphore_mem>>)
          %dma_wait3A = tpu.memref_slice %arg4[%add3A_340] : memref<102400000xf32, #tpu.memory_space<hbm>> -> memref<20000xf32, #tpu.memory_space<hbm>>
          %dma_wait3A_342 = tpu.memref_slice %arg4[%add3A_340] : memref<102400000xf32, #tpu.memory_space<hbm>> -> memref<20000xf32, #tpu.memory_space<hbm>>
          tpu.wait_dma2 semaphore(%run_scoped3A : memref<!tpu.dma_semaphore, #tpu.memory_space<semaphore_mem>>) src(%arg11 : memref<20000xf32, #tpu.memory_space<vmem>>) dst(%dma_wait3A_342 : memref<20000xf32, #tpu.memory_space<hbm>>)
          tpu.yield
        }) : () -> ()
      } else {
      }
      %add3A_303 = arith.constant 16 : i32
      %add3A_304 = arith.addi %arg1, %add3A_303 : i32
      %lt3A_305 = arith.constant 64 : i32
      %lt3A_306 = arith.cmpi slt, %add3A_304, %lt3A_305 : i32
      %convert_element_type3A_307 = arith.extui %lt3A_306 : i1 to i32
      %cond3A_308 = arith.constant 0 : i32
      %cond3A_309 = arith.cmpi ne, %convert_element_type3A_307, %cond3A_308 : i32
      scf.if %cond3A_309 {
        %add3A_336 = arith.constant 16 : i32
        %add3A_337 = arith.addi %arg1, %add3A_336 : i32
        %mul3A_338 = arith.constant 20000 : i32
        %mul3A_339 = arith.muli %add3A_337, %mul3A_338 : i32
        "tpu.region"() ({
          %run_scoped3A = tpu.sem_alloc : memref<!tpu.dma_semaphore, #tpu.memory_space<semaphore_mem>>
          %dma_start3A = tpu.memref_slice %arg5[%mul3A_339] : memref<1280128xf32, #tpu.memory_space<vmem_shared>> -> memref<20000xf32, #tpu.memory_space<vmem_shared>>
          %dma_start3A_341 = tpu.memref_slice %arg5[%mul3A_339] : memref<1280128xf32, #tpu.memory_space<vmem_shared>> -> memref<20000xf32, #tpu.memory_space<vmem_shared>>
          tpu.enqueue_dma source(%dma_start3A_341 : memref<20000xf32, #tpu.memory_space<vmem_shared>>) target(%arg11 : memref<20000xf32, #tpu.memory_space<vmem>>) target_semaphore(%run_scoped3A : memref<!tpu.dma_semaphore, #tpu.memory_space<semaphore_mem>>)
          %dma_wait3A = tpu.memref_slice %arg5[%mul3A_339] : memref<1280128xf32, #tpu.memory_space<vmem_shared>> -> memref<20000xf32, #tpu.memory_space<vmem_shared>>
          %dma_wait3A_342 = tpu.memref_slice %arg5[%mul3A_339] : memref<1280128xf32, #tpu.memory_space<vmem_shared>> -> memref<20000xf32, #tpu.memory_space<vmem_shared>>
          tpu.wait_dma2 semaphore(%run_scoped3A : memref<!tpu.dma_semaphore, #tpu.memory_space<semaphore_mem>>) src(%dma_wait3A_342 : memref<20000xf32, #tpu.memory_space<vmem_shared>>) dst(%arg11 : memref<20000xf32, #tpu.memory_space<vmem>>)
          tpu.yield
        }) : () -> ()
        %add3A_340 = arith.addi %add3A_157, %mul3A_339 : i32
        "tpu.region"() ({
          %run_scoped3A = tpu.sem_alloc : memref<!tpu.dma_semaphore, #tpu.memory_space<semaphore_mem>>
          %dma_start3A = tpu.memref_slice %arg4[%add3A_340] : memref<102400000xf32, #tpu.memory_space<hbm>> -> memref<20000xf32, #tpu.memory_space<hbm>>
          %dma_start3A_341 = tpu.memref_slice %arg4[%add3A_340] : memref<102400000xf32, #tpu.memory_space<hbm>> -> memref<20000xf32, #tpu.memory_space<hbm>>
          tpu.enqueue_dma source(%arg11 : memref<20000xf32, #tpu.memory_space<vmem>>) target(%dma_start3A_341 : memref<20000xf32, #tpu.memory_space<hbm>>) target_semaphore(%run_scoped3A : memref<!tpu.dma_semaphore, #tpu.memory_space<semaphore_mem>>)
          %dma_wait3A = tpu.memref_slice %arg4[%add3A_340] : memref<102400000xf32, #tpu.memory_space<hbm>> -> memref<20000xf32, #tpu.memory_space<hbm>>
          %dma_wait3A_342 = tpu.memref_slice %arg4[%add3A_340] : memref<102400000xf32, #tpu.memory_space<hbm>> -> memref<20000xf32, #tpu.memory_space<hbm>>
          tpu.wait_dma2 semaphore(%run_scoped3A : memref<!tpu.dma_semaphore, #tpu.memory_space<semaphore_mem>>) src(%arg11 : memref<20000xf32, #tpu.memory_space<vmem>>) dst(%dma_wait3A_342 : memref<20000xf32, #tpu.memory_space<hbm>>)
          tpu.yield
        }) : () -> ()
      } else {
      }
      %add3A_310 = arith.constant 32 : i32
      %add3A_311 = arith.addi %arg1, %add3A_310 : i32
      %lt3A_312 = arith.constant 64 : i32
      %lt3A_313 = arith.cmpi slt, %add3A_311, %lt3A_312 : i32
      %convert_element_type3A_314 = arith.extui %lt3A_313 : i1 to i32
      %cond3A_315 = arith.constant 0 : i32
      %cond3A_316 = arith.cmpi ne, %convert_element_type3A_314, %cond3A_315 : i32
      scf.if %cond3A_316 {
        %add3A_336 = arith.constant 32 : i32
        %add3A_337 = arith.addi %arg1, %add3A_336 : i32
        %mul3A_338 = arith.constant 20000 : i32
        %mul3A_339 = arith.muli %add3A_337, %mul3A_338 : i32
        "tpu.region"() ({
          %run_scoped3A = tpu.sem_alloc : memref<!tpu.dma_semaphore, #tpu.memory_space<semaphore_mem>>
          %dma_start3A = tpu.memref_slice %arg5[%mul3A_339] : memref<1280128xf32, #tpu.memory_space<vmem_shared>> -> memref<20000xf32, #tpu.memory_space<vmem_shared>>
          %dma_start3A_341 = tpu.memref_slice %arg5[%mul3A_339] : memref<1280128xf32, #tpu.memory_space<vmem_shared>> -> memref<20000xf32, #tpu.memory_space<vmem_shared>>
          tpu.enqueue_dma source(%dma_start3A_341 : memref<20000xf32, #tpu.memory_space<vmem_shared>>) target(%arg11 : memref<20000xf32, #tpu.memory_space<vmem>>) target_semaphore(%run_scoped3A : memref<!tpu.dma_semaphore, #tpu.memory_space<semaphore_mem>>)
          %dma_wait3A = tpu.memref_slice %arg5[%mul3A_339] : memref<1280128xf32, #tpu.memory_space<vmem_shared>> -> memref<20000xf32, #tpu.memory_space<vmem_shared>>
          %dma_wait3A_342 = tpu.memref_slice %arg5[%mul3A_339] : memref<1280128xf32, #tpu.memory_space<vmem_shared>> -> memref<20000xf32, #tpu.memory_space<vmem_shared>>
          tpu.wait_dma2 semaphore(%run_scoped3A : memref<!tpu.dma_semaphore, #tpu.memory_space<semaphore_mem>>) src(%dma_wait3A_342 : memref<20000xf32, #tpu.memory_space<vmem_shared>>) dst(%arg11 : memref<20000xf32, #tpu.memory_space<vmem>>)
          tpu.yield
        }) : () -> ()
        %add3A_340 = arith.addi %add3A_157, %mul3A_339 : i32
        "tpu.region"() ({
          %run_scoped3A = tpu.sem_alloc : memref<!tpu.dma_semaphore, #tpu.memory_space<semaphore_mem>>
          %dma_start3A = tpu.memref_slice %arg4[%add3A_340] : memref<102400000xf32, #tpu.memory_space<hbm>> -> memref<20000xf32, #tpu.memory_space<hbm>>
          %dma_start3A_341 = tpu.memref_slice %arg4[%add3A_340] : memref<102400000xf32, #tpu.memory_space<hbm>> -> memref<20000xf32, #tpu.memory_space<hbm>>
          tpu.enqueue_dma source(%arg11 : memref<20000xf32, #tpu.memory_space<vmem>>) target(%dma_start3A_341 : memref<20000xf32, #tpu.memory_space<hbm>>) target_semaphore(%run_scoped3A : memref<!tpu.dma_semaphore, #tpu.memory_space<semaphore_mem>>)
          %dma_wait3A = tpu.memref_slice %arg4[%add3A_340] : memref<102400000xf32, #tpu.memory_space<hbm>> -> memref<20000xf32, #tpu.memory_space<hbm>>
          %dma_wait3A_342 = tpu.memref_slice %arg4[%add3A_340] : memref<102400000xf32, #tpu.memory_space<hbm>> -> memref<20000xf32, #tpu.memory_space<hbm>>
          tpu.wait_dma2 semaphore(%run_scoped3A : memref<!tpu.dma_semaphore, #tpu.memory_space<semaphore_mem>>) src(%arg11 : memref<20000xf32, #tpu.memory_space<vmem>>) dst(%dma_wait3A_342 : memref<20000xf32, #tpu.memory_space<hbm>>)
          tpu.yield
        }) : () -> ()
      } else {
      }
      %add3A_317 = arith.constant 48 : i32
      %add3A_318 = arith.addi %arg1, %add3A_317 : i32
      %lt3A_319 = arith.constant 64 : i32
      %lt3A_320 = arith.cmpi slt, %add3A_318, %lt3A_319 : i32
      %convert_element_type3A_321 = arith.extui %lt3A_320 : i1 to i32
      %cond3A_322 = arith.constant 0 : i32
      %cond3A_323 = arith.cmpi ne, %convert_element_type3A_321, %cond3A_322 : i32
      scf.if %cond3A_323 {
        %add3A_336 = arith.constant 48 : i32
        %add3A_337 = arith.addi %arg1, %add3A_336 : i32
        %mul3A_338 = arith.constant 20000 : i32
        %mul3A_339 = arith.muli %add3A_337, %mul3A_338 : i32
        "tpu.region"() ({
          %run_scoped3A = tpu.sem_alloc : memref<!tpu.dma_semaphore, #tpu.memory_space<semaphore_mem>>
          %dma_start3A = tpu.memref_slice %arg5[%mul3A_339] : memref<1280128xf32, #tpu.memory_space<vmem_shared>> -> memref<20000xf32, #tpu.memory_space<vmem_shared>>
          %dma_start3A_341 = tpu.memref_slice %arg5[%mul3A_339] : memref<1280128xf32, #tpu.memory_space<vmem_shared>> -> memref<20000xf32, #tpu.memory_space<vmem_shared>>
          tpu.enqueue_dma source(%dma_start3A_341 : memref<20000xf32, #tpu.memory_space<vmem_shared>>) target(%arg11 : memref<20000xf32, #tpu.memory_space<vmem>>) target_semaphore(%run_scoped3A : memref<!tpu.dma_semaphore, #tpu.memory_space<semaphore_mem>>)
          %dma_wait3A = tpu.memref_slice %arg5[%mul3A_339] : memref<1280128xf32, #tpu.memory_space<vmem_shared>> -> memref<20000xf32, #tpu.memory_space<vmem_shared>>
          %dma_wait3A_342 = tpu.memref_slice %arg5[%mul3A_339] : memref<1280128xf32, #tpu.memory_space<vmem_shared>> -> memref<20000xf32, #tpu.memory_space<vmem_shared>>
          tpu.wait_dma2 semaphore(%run_scoped3A : memref<!tpu.dma_semaphore, #tpu.memory_space<semaphore_mem>>) src(%dma_wait3A_342 : memref<20000xf32, #tpu.memory_space<vmem_shared>>) dst(%arg11 : memref<20000xf32, #tpu.memory_space<vmem>>)
          tpu.yield
        }) : () -> ()
        %add3A_340 = arith.addi %add3A_157, %mul3A_339 : i32
        "tpu.region"() ({
          %run_scoped3A = tpu.sem_alloc : memref<!tpu.dma_semaphore, #tpu.memory_space<semaphore_mem>>
          %dma_start3A = tpu.memref_slice %arg4[%add3A_340] : memref<102400000xf32, #tpu.memory_space<hbm>> -> memref<20000xf32, #tpu.memory_space<hbm>>
          %dma_start3A_341 = tpu.memref_slice %arg4[%add3A_340] : memref<102400000xf32, #tpu.memory_space<hbm>> -> memref<20000xf32, #tpu.memory_space<hbm>>
          tpu.enqueue_dma source(%arg11 : memref<20000xf32, #tpu.memory_space<vmem>>) target(%dma_start3A_341 : memref<20000xf32, #tpu.memory_space<hbm>>) target_semaphore(%run_scoped3A : memref<!tpu.dma_semaphore, #tpu.memory_space<semaphore_mem>>)
          %dma_wait3A = tpu.memref_slice %arg4[%add3A_340] : memref<102400000xf32, #tpu.memory_space<hbm>> -> memref<20000xf32, #tpu.memory_space<hbm>>
          %dma_wait3A_342 = tpu.memref_slice %arg4[%add3A_340] : memref<102400000xf32, #tpu.memory_space<hbm>> -> memref<20000xf32, #tpu.memory_space<hbm>>
          tpu.wait_dma2 semaphore(%run_scoped3A : memref<!tpu.dma_semaphore, #tpu.memory_space<semaphore_mem>>) src(%arg11 : memref<20000xf32, #tpu.memory_space<vmem>>) dst(%dma_wait3A_342 : memref<20000xf32, #tpu.memory_space<hbm>>)
          tpu.yield
        }) : () -> ()
      } else {
      }
      %barrier3A_324 = arith.constant 0 : index
      tpu.barrier barrier_id(%barrier3A_324)
      %while3A_325 = arith.constant 0 : i32
      %while3A_326 = arith.constant 0 : i32
      %while3A_327 = arith.subi %select_n3A, %while3A_326 : i32
      %while3A_328 = arith.addi %while3A_326, %while3A_327 : i32
      %while3A_329 = arith.constant 1 : i32
      %while3A_330 = arith.divsi %while3A_327, %while3A_329 : i32
      %while3A_331 = arith.muli %while3A_330, %while3A_329 : i32
      %while3A_332 = arith.addi %while3A_326, %while3A_331 : i32
      %while3A_333 = arith.constant 1 : i32
      scf.for %while3A_336 = %while3A_326 to %while3A_332 step %while3A_333  : i32 {
        "tpu.region"() ({
          %run_scoped3A = tpu.sem_alloc : memref<!tpu.dma_semaphore, #tpu.memory_space<semaphore_mem>>
          %dma_start3A = arith.constant 0 : i32
          %dma_start3A_337 = tpu.memref_slice %arg8[%while3A_336, %dma_start3A] : memref<80x128xi32, #tpu.memory_space<vmem>> -> memref<1x128xi32, #tpu.memory_space<vmem>>
          %dma_start3A_338 = tpu.memref_squeeze %dma_start3A_337 : memref<1x128xi32, #tpu.memory_space<vmem>> -> memref<128xi32, #tpu.memory_space<vmem>>
          %dma_start3A_339 = arith.constant 0 : i32
          %dma_start3A_340 = tpu.memref_slice %arg5[%dma_start3A_339] : memref<1280128xf32, #tpu.memory_space<vmem_shared>> -> memref<1280128xf32, #tpu.memory_space<vmem_shared>>
          tpu.enqueue_indirect_dma source(%arg10 : memref<128xf32, #tpu.memory_space<vmem>>) target(%dma_start3A_340 : memref<1280128xf32, #tpu.memory_space<vmem_shared>>) offsets(%dma_start3A_338 : memref<128xi32, #tpu.memory_space<vmem>>) semaphore(%run_scoped3A : memref<!tpu.dma_semaphore, #tpu.memory_space<semaphore_mem>>)
          %dma_wait3A = arith.constant 0 : i32
          %dma_wait3A_341 = tpu.memref_slice %arg8[%while3A_336, %dma_wait3A] : memref<80x128xi32, #tpu.memory_space<vmem>> -> memref<1x128xi32, #tpu.memory_space<vmem>>
          %dma_wait3A_342 = tpu.memref_squeeze %dma_wait3A_341 : memref<1x128xi32, #tpu.memory_space<vmem>> -> memref<128xi32, #tpu.memory_space<vmem>>
          %dma_wait3A_343 = arith.constant 0 : i32
          %dma_wait3A_344 = tpu.memref_slice %arg5[%dma_wait3A_343] : memref<1280128xf32, #tpu.memory_space<vmem_shared>> -> memref<1280128xf32, #tpu.memory_space<vmem_shared>>
          tpu.wait_indirect_dma semaphore(%run_scoped3A : memref<!tpu.dma_semaphore, #tpu.memory_space<semaphore_mem>>) src(%arg10 : memref<128xf32, #tpu.memory_space<vmem>>) dst(%dma_wait3A_344 : memref<1280128xf32, #tpu.memory_space<vmem_shared>>)
          tpu.yield
        }) : () -> ()
      }
      %while3A_334 = arith.constant 1 : i32
      scf.for %while3A_336 = %while3A_332 to %while3A_328 step %while3A_334  : i32 {
        "tpu.region"() ({
          %run_scoped3A = tpu.sem_alloc : memref<!tpu.dma_semaphore, #tpu.memory_space<semaphore_mem>>
          %dma_start3A = arith.constant 0 : i32
          %dma_start3A_337 = tpu.memref_slice %arg8[%while3A_336, %dma_start3A] : memref<80x128xi32, #tpu.memory_space<vmem>> -> memref<1x128xi32, #tpu.memory_space<vmem>>
          %dma_start3A_338 = tpu.memref_squeeze %dma_start3A_337 : memref<1x128xi32, #tpu.memory_space<vmem>> -> memref<128xi32, #tpu.memory_space<vmem>>
          %dma_start3A_339 = arith.constant 0 : i32
          %dma_start3A_340 = tpu.memref_slice %arg5[%dma_start3A_339] : memref<1280128xf32, #tpu.memory_space<vmem_shared>> -> memref<1280128xf32, #tpu.memory_space<vmem_shared>>
          tpu.enqueue_indirect_dma source(%arg10 : memref<128xf32, #tpu.memory_space<vmem>>) target(%dma_start3A_340 : memref<1280128xf32, #tpu.memory_space<vmem_shared>>) offsets(%dma_start3A_338 : memref<128xi32, #tpu.memory_space<vmem>>) semaphore(%run_scoped3A : memref<!tpu.dma_semaphore, #tpu.memory_space<semaphore_mem>>)
          %dma_wait3A = arith.constant 0 : i32
          %dma_wait3A_341 = tpu.memref_slice %arg8[%while3A_336, %dma_wait3A] : memref<80x128xi32, #tpu.memory_space<vmem>> -> memref<1x128xi32, #tpu.memory_space<vmem>>
          %dma_wait3A_342 = tpu.memref_squeeze %dma_wait3A_341 : memref<1x128xi32, #tpu.memory_space<vmem>> -> memref<128xi32, #tpu.memory_space<vmem>>
          %dma_wait3A_343 = arith.constant 0 : i32
          %dma_wait3A_344 = tpu.memref_slice %arg5[%dma_wait3A_343] : memref<1280128xf32, #tpu.memory_space<vmem_shared>> -> memref<1280128xf32, #tpu.memory_space<vmem_shared>>
          tpu.wait_indirect_dma semaphore(%run_scoped3A : memref<!tpu.dma_semaphore, #tpu.memory_space<semaphore_mem>>) src(%arg10 : memref<128xf32, #tpu.memory_space<vmem>>) dst(%dma_wait3A_344 : memref<1280128xf32, #tpu.memory_space<vmem_shared>>)
          tpu.yield
        }) : () -> ()
      }
      %barrier3A_335 = arith.constant 0 : index
      tpu.barrier barrier_id(%barrier3A_335)
    }
    %scan3A_151 = arith.constant 40 : i32
    return
  }
}

</mosaic_0001>

<sc_bundles>
// kernel: _adj_counts.3.cloned.1.call-start
scs
__scs_entry_jumppad:
0x0: {  	(pc) =	sbr.rel $0x88, $3  }
0x1: {  	(tag) =	ssettag $0x0;
	lr =	simm.s32 $0x1  }
0x2: {  	[smem:$0x3F9F] =	sst lr;
	_ =	strace $0xD0000000  }
0x3: {  	_ = 	snop  }
0x4: {  	_ = 	snop  }
0x5: {  	_ = 	snop  }
0x6: {  	_ = 	snop  }
0x7: {  	_ = 	snop  }
__scs_overlays_trampoline_lowered:
0x8: {  	[smem:$0x3FAE] =	sst s0  }
0x9: {  	[smem:$0x3FAF] =	sst s1  }
0xa: {  	[smem:$0x3FB0] =	sst s2  }
0xb: {  	[smem:$0x3FB1] =	sst s3  }
0xc: {  	[smem:$0x3FB2] =	sst s4  }
0xd: {  	[smem:$0x3FB3] =	sst s5  }
0xe: {  	[smem:$0x3FB4] =	sst s6  }
0xf: {  	[smem:$0x3FB5] =	sst s7  }
0x10: {  	[smem:$0x3FB6] =	sst s8  }
0x11: {  	[smem:$0x3FB7] =	sst s9;
	s0 =	simm.s32 @!p0 $0x0  }
0x12: {  	s1 =	sld [smem:$0x3F9D];
	s0 =	simm.s32 @p0 $0x1  }
0x13: {  	[smem:$0x3FB8] =	sst s0;
	s0 =	simm.s32 @!p1 $0x0  }
0x14: {  	s2 =	sld [smem:$0x3F9C];
	s0 =	simm.s32 @p1 $0x1  }
0x15: {  	[smem:$0x3FB9] =	sst s0;
	s0 =	simm.s32 @!p2 $0x0  }
0x16: {  	s3 =	sld [smem:$0x3FDB];
	s0 =	simm.s32 @p2 $0x1  }
0x17: {  	s4 =	simm.s32 $0x1BF5;
	[smem:$0x3FBB] =	sst s0  }
0x18: {  	s0 =	sld [smem:$0x3F9E];
	_ =	swait.ge [sflag:s4], $0x0  }
0x19: {  	s7 =	sld [smem:$0x3F9F]  }
0x1a: {  	s8 =	sadd.s32 $0xFFFFE003, lr  }
0x1b: {  	s9 =	sadd.s32 $0xFFFFFEF7, lr;
	s5 =	simm.s32 $0xFFFFFFFF;
	p2 =	slt.u32 s8, $0xFFFFF086  }
0x1c: {  	p1 =	slt.u32 s9, $0xF7A;
	s5 =	simm.s32 @!p2 $0x0  }
0x1d: {  	s5 =	simm.s32 @p1 $0x1;
	p0 =	seq.s32 s7, s2  }
0x1e: {  	s7 =	smul.u32 @!p0 $0xF7A, s2;
	p2 =	seq.s32 @!p0 s5, $0x0  }
0x1f: {  	s9 =	smul.u32 $0xF7A, s1;
	s8 =	simm.s32 @!p0 $0x1BF5;
	p2 =	por !p2, p0  }
0x20: {  	[sflag:s8] =	ssyncset.s32 @!p0 $0xFFFFF086;
	s6 =	sadd.s32 @!p0 s3, s7;
	s7 =	simm.s32 @!p0 $0x108  }
0x21: {  	s3 =	sadd.s32 s3, s9;
	s6 =	sadd.s32 @!p0 $0x88, s6;
	s7 =	simm.s32 @p2 $0x1082  }
0x22: {  	[simem:s7], [sflag:s8] =	dma.local @!p0 [hbm:s6], $0xF7A  }
0x23: {  	s9 =	sor.u32 $0xD0000000, s2;
	s6 =	simm.s32 $0x108;
	_ =	swait.ge @!p0 [sflag:s8], $0x0  }
0x24: {  	s3 =	sadd.s32 $0x88, s3;
	s6 =	simm.s32 @!p1 $0x1082;
	[sflag:s4] =	ssyncset.s32 $0xFFFFF086  }
0x25: {  	[simem:s6], [sflag:s4] =	dma.local [hbm:s3], $0xF7A  }
0x26: {  	[smem:$0x3F9F] =	sst s1;
	(tag) =	ssettag s2;
	_ =	strace s9  }
0x27: {  	s1 =	sld [smem:$0x3FAF]  }
0x28: {  	s2 =	sld [smem:$0x3FB0]  }
0x29: {  	s4 =	sld [smem:$0x3FB2]  }
0x2a: {  	p0 =	seq.s32 s5, $0x0;
	s5 =	sld [smem:$0x3FB3]  }
0x2b: {  	s6 =	sld [smem:$0x3FB4]  }
0x2c: {  	s7 =	sld [smem:$0x3FB5]  }
0x2d: {  	s3 =	simm.s32 $0x108;
	s8 =	sld [smem:$0x3FB6]  }
0x2e: {  	s3 =	simm.s32 @!p0 $0x1082;
	s9 =	sld [smem:$0x3FB7]  }
0x2f: {  	lr =	sadd.s32 s0, s3;
	s0 =	sld [smem:$0x3FAE]  }
0x30: {  	s3 =	sld [smem:$0x3FB1]  }
0x31: {  	[smem:$0x3FBA] =	sst s10  }
0x32: {  	s10 =	sld [smem:$0x3FB8];
	_ =	sdelay $0x3  }
0x33: {  	p0 =	seq.s32 s10, $0x1;
	s10 =	sld [smem:$0x3FBA];
	_ =	sdelay $0x3  }
0x34: {  	[smem:$0x3FBA] =	sst s10  }
0x35: {  	s10 =	sld [smem:$0x3FB9];
	_ =	sdelay $0x3  }
0x36: {  	p1 =	seq.s32 s10, $0x1;
	s10 =	sld [smem:$0x3FBA];
	_ =	sdelay $0x3  }
0x37: {  	[smem:$0x3FBA] =	sst s10  }
0x38: {  	s10 =	sld [smem:$0x3FBB]  }
0x39: {  	_ = 	snop;
	(pc) =	sbr.ind lr, $3  }
0x3a: {  	_ = 	snop  }
0x3b: {  	_ = 	snop  }
0x3c: {  	p2 =	seq.s32 s10, $0x1;
	s10 =	sld [smem:$0x3FBA]  }
0x3d: {  	_ =	shalt  }
0x3e: {  	_ =	shalt  }
0x3f: {  	_ =	shalt  }
0x40: {  	_ =	shalt  }
0x41: {  	_ =	shalt  }
0x42: {  	_ =	shalt  }
0x43: {  	_ =	shalt  }
0x44: {  	_ =	shalt  }
0x45: {  	_ =	shalt  }
0x46: {  	_ =	shalt  }
0x47: {  	_ =	shalt  }
0x48: {  	_ =	shalt  }
0x49: {  	_ =	shalt  }
0x4a: {  	_ =	shalt  }
0x4b: {  	_ =	shalt  }
0x4c: {  	_ =	shalt  }
0x4d: {  	_ =	shalt  }
0x4e: {  	_ =	shalt  }
0x4f: {  	_ =	shalt  }
0x50: {  	_ =	shalt  }
0x51: {  	_ =	shalt  }
0x52: {  	_ =	shalt  }
0x53: {  	_ =	shalt  }
0x54: {  	_ =	shalt  }
0x55: {  	_ =	shalt  }
0x56: {  	_ =	shalt  }
0x57: {  	_ =	shalt  }
0x58: {  	_ =	shalt  }
0x59: {  	_ =	shalt  }
0x5a: {  	_ =	shalt  }
0x5b: {  	_ =	shalt  }
0x5c: {  	_ =	shalt  }
0x5d: {  	_ =	shalt  }
0x5e: {  	_ =	shalt  }
0x5f: {  	_ =	shalt  }
0x60: {  	_ =	shalt  }
0x61: {  	_ =	shalt  }
0x62: {  	_ =	shalt  }
0x63: {  	_ =	shalt  }
0x64: {  	_ =	shalt  }
0x65: {  	_ =	shalt  }
0x66: {  	_ =	shalt  }
0x67: {  	_ =	shalt  }
0x68: {  	_ =	shalt  }
0x69: {  	_ =	shalt  }
0x6a: {  	_ =	shalt  }
0x6b: {  	_ =	shalt  }
0x6c: {  	_ =	shalt  }
0x6d: {  	_ =	shalt  }
0x6e: {  	_ =	shalt  }
0x6f: {  	_ =	shalt  }
0x70: {  	_ =	shalt  }
0x71: {  	_ =	shalt  }
0x72: {  	_ =	shalt  }
0x73: {  	_ =	shalt  }
0x74: {  	_ =	shalt  }
0x75: {  	_ =	shalt  }
0x76: {  	_ =	shalt  }
0x77: {  	_ =	shalt  }
0x78: {  	_ =	shalt  }
0x79: {  	_ =	shalt  }
0x7a: {  	_ =	shalt  }
0x7b: {  	_ =	shalt  }
0x7c: {  	_ =	shalt  }
0x7d: {  	_ =	shalt  }
0x7e: {  	_ =	shalt  }
0x7f: {  	_ =	shalt  }
0x80: {  	_ =	shalt  }
0x81: {  	_ =	shalt  }
0x82: {  	_ =	shalt  }
0x83: {  	_ =	shalt  }
0x84: {  	_ =	shalt  }
0x85: {  	_ =	shalt  }
0x86: {  	_ =	shalt  }
0x87: {  	_ =	shalt  }
.Lfunc_end0:
.L_simem_size_0:
called_computation_lowered:
.L_overlay_start_0:
0x88: {  	s2 =	sld [smem:$0x3FD9]  }
0x89: {  	s3 =	sld [smem:$0x3FFE];
	_ =	sdelay $0x1  }
0x8a: {  	s1 =	srdreg.scid  }
0x8b: {  	s0 =	sand.u32 $0x1, s1  }
0x8c: {  	s18 =	sshll.u32 s0, $0xA;
	s2 =	sadd.s32 s3, s2  }
0x8d: {  	s2 =	sadd.s32 s2, s18  }
0x8e: {  	[smem:$0x3FC6] =	sst s2  }
0x8f: {  	_ = 	snop  }
0x90: {  	s2 =	sld [smem:$0x3FC9]  }
0x91: {  	s19 =	sld [smem:$0x3FC8]  }
0x92: {  	s4 =	sld [smem:$0x3FD0];
	(tm) =	ssettm $0x1  }
0x93: {  	s5 =	sld [smem:$0x3FFB];
	_ =	sdelay $0x3  }
0x94: {  	_ =	strace s5  }
0x95: {  	s5 =	sld [smem:$0x3FFC];
	_ =	sdelay $0x3  }
0x96: {  	_ =	strace s5  }
0x97: {  	s5 =	sld [smem:$0x3FFD];
	_ =	sdelay $0x3  }
0x98: {  	_ =	strace s5  }
0x99: {  	_ =	strace $0x8FFFFFFF  }
0x9a: {  	s20 =	sld [smem:$0x3FDB];
	_ =	sdelay $0x1  }
0x9b: {  	s6 =	simm.s32 $_scs_section_size  }
0x9c: {  	s7 =	simm.s32 $_size__tile_overlayer_lowered;
	s8 =	simm.s32 $_tile_overlayer_lowered  }
0x9d: {  	s23 =	simm.s32 $0x1BFF;
	s22 =	sshll.u32 s8, $0x1;
	s5 =	sadd.s32 s6, s20  }
0x9e: {  	s9 =	simm.s32 $0x0;
	s21 =	sshll.u32 s7, $0x1;
	s7 =	sadd.s32 s22, s5  }
0x9f: {  	[timem:s9], [sflag:s23] =	dma.local [hbm:s7], s21  }
0xa0: {  	_ =	swait.ge [sflag:s23], s21  }
0xa1: {  	s6 =	ssub.s32 $0x0, s21;
	[sflag:s23] =	ssyncset.done $0x0  }
0xa2: {  	[sflag:s23] =	ssyncadd.s32 s6;
	_ =	sdelay $0x1  }
0xa3: {  	s24 =	simm.s32 $0x1B8B  }
0xa4: {  	_ =	swait.ge [sflag:s24], $0x1  }
0xa5: {  	[sflag:s24] =	ssyncset.done $0x0  }
0xa6: {  	s25 =	simm.s32 $0x1B8E;
	[sflag:s24] =	ssyncadd.s32 $0xFFFFFFFF  }
0xa7: {  	s26 =	simm.s32 $execute0_lowered;
	[smem:$0x3FD2] =	sst s25  }
0xa8: {  	s6 =	sshll.u32 s26, $0x1;
	_ =	strace $0x80000046;
	[dreg:$0x1] =	wrdreg $0xFFFFFFFF  }
0xa9: {  	s28 =	simm.s32 $_size_execute0_lowered;
	s5 =	sadd.s32 s5, s6;
	[dreg:$0x0] =	wrdreg $0x0  }
0xaa: {  	s6 =	sshll.u32 s28, $0x1;
	[dreg:$0x2] =	wrdreg s5  }
0xab: {  	[dreg:$0x3] =	wrdreg s6  }
0xac: {  	[dreg:$0x4] =	wrdreg $0xC0  }
0xad: {  	_ =	task [dreg:s9], $0x5FFFF  }
0xae: {  	[dreg:$0x1] =	wrdreg $0xFFFFFFFF  }
0xaf: {  	[dreg:$0x0] =	wrdreg $0x60  }
0xb0: {  	[dreg:$0x2] =	wrdreg s2  }
0xb1: {  	[dreg:$0x3] =	wrdreg s19  }
0xb2: {  	[dreg:$0x4] =	wrdreg s4  }
0xb3: {  	[dreg:$0x5] =	wrdreg $0x0  }
0xb4: {  	[dreg:$0x6] =	wrdreg $0x9  }
0xb5: {  	_ =	task.clear_ibuf [dreg:s9], $0x7FFFF;
	_ =	strace $0x90000046  }
0xb6: {  	s29 =	simm.s32 $0x9;
	_ =	strace $0x80000048  }
0xb7: {  	_ =	swait.ge [sflag:s29], $0x1  }
0xb8: {  	[sflag:s29] =	ssyncadd.s32 $0xFFFFFFFF  }
0xb9: {  	_ =	strace $0x90000048  }
0xba: {  	_ =	sfence  }
0xbb: {  	s30 =	sld [smem:$0x0];
	_ =	sdelay $0x2  }
0xbc: {  	s31 =	sshll.u32 s1, $0xD;
	s1 =	sshrl.u32 s1, $0x2  }
0xbd: {  	s3 =	sand.u32 $0x4000, s31;
	s1 =	sadd.s32 s1, s30  }
0xbe: {  	s0 =	sor.u32 s3, s0;
	s1 =	sshll.u32 s1, $0x11  }
0xbf: {  	s0 =	sor.u32 s1, s0  }
0xc0: {  	s0 =	sadd.s32 $0x8F2B, s0  }
0xc1: {  	[sflag:s0] =	ssyncadd.remote.s32 $0x1  }
0xc2: {  	_ =	sfence.sel $0xFFFF  }
0xc3: {  	[dreg:$0x0] =	wrdreg $0xFFFFFFFF;
	(pc) =	sbr.abs _section_cstart, $3  }
0xc4: {  	[dreg:$0x1] =	wrdreg $0xFFFFFFFF  }
0xc5: {  	_ =	task.clear_ibuf [dreg:s9], $0x2FFFF;
	_ =	strace $0x9FFFFFFF  }
0xc6: {  	(tm) =	ssettm $0x7FFFFFFF  }
0xc7: {  	_ =	shalt  }
tec
execute0_lowered:
.L_overlay_start_1:
0x0: {  	(tag) =	ssettag $0x1  }
0x1: {  	s0 =	rddreg [dreg:$0x0]  }
0x2: {  	s4 =	rddreg [dreg:$0x1]  }
0x3: {  	s1 =	rddreg [dreg:$0x2];
	s6 =	stileid.u32  }
0x4: {  	s2 =	rddreg [dreg:$0x3];
	s8 =	smul.u32 $0x2710, s6  }
0x5: {  	s3 =	srdreg.scid;
	s28 =	simm.s32 $0x16008;
	s18 =	smul.u32 $0x13880, s6  }
0x6: {  	s29 =	simm.s32 $0x19108;
	s19 =	sor.u32 $0x10, s6;
	s12 =	smul.u32 $0x4E20, s6  }
0x7: {  	s30 =	simm.s32 $0x16808;
	s11 =	sor.u32 $0x20, s6;
	s20 =	smul.u32 $0x13880, s19  }
0x8: {  	s31 =	simm.s32 $0x80;
	s15 =	sor.u32 $0x30, s6;
	s13 =	smul.u32 $0x13880, s11  }
0x9: {  	s7 =	sand.u32 $0x1, s3;
	s3 =	simm.s32 $0x0;
	s16 =	smul.u32 $0x13880, s15  }
0xa: {  	p0 =	sne.s32 s6, $0x0;
	s5 =	ssub.s32 $0x2, s7;
	s14 =	smul.u32 $0x4E20, s19  }
0xb: {  	[smem:$0x7FF] =	sst s3;
	s19 =	smul.u32 $0x4E20, s15;
	s9 =	sshrl.u32 s5, $0x1  }
0xc: {  	_ =	strace $0x80000047;
	s17 =	sshrl.u32 s8, $0x3;
	s9 =	ssub.s32 s5, s9  }
0xd: {  	s0 =	sadd.s32 s0, s17;
	s5 =	sadd.s32 s4, s17;
	s24 =	sshrl.u32 s20, $0x2  }
0xe: {  	s25 =	sshrl.u32 s13, $0x2;
	s26 =	sshrl.u32 s16, $0x2;
	s16 =	smul.u32 $0x4E20, s11  }
0xf: {  	s20 =	sadd.s32 s12, s2;
	[dreg:$0x5] =	wrdreg s0;
	s10 =	sadd.s32 $0xFA, s5  }
0x10: {  	s4 =	simm.s32 $0x0;
	s21 =	sadd.s32 $0x1F4, s5;
	[dreg:$0x6] =	wrdreg s10  }
0x11: {  	s22 =	sadd.s32 $0x2EE, s5;
	s23 =	sadd.s32 $0x3E8, s5;
	[dreg:$0x7] =	wrdreg s21  }
0x12: {  	s0 =	sshrl.u32 s18, $0x2;
	s18 =	sadd.s32 $0x138800, s2;
	[dreg:$0x8] =	wrdreg s22  }
0x13: {  	[dreg:$0x9] =	wrdreg s23;
	s10 =	smul.u32 $0x138800, s7;
	s0 =	sadd.s32 s0, s2  }
.Ltmp0:
0x14: {  	v0 =	vlaneseq.u32;
	s21 =	sadd.s32 s14, s2;
	s22 =	sadd.s32 s16, s2;
	(pc) =	sbr.rel .LBB2_1-.Ltmp0, $4  }
0x15: {  	v3 =	vimm.f32 $0.0e+00;
	v1 =	vor.u32 $0x138800, v0;
	s23 =	sadd.s32 s19, s2;
	[dreg:$0xa] =	wrdreg s0;
	s0 =	sadd.s32 s24, s2  }
0x16: {  	v2 =	vor.u32 $0x138810, v0;
	v4 =	vor.u32 $0x138820, v0;
	v5 =	vor.u32 $0x138830, v0;
	s24 =	smax.u32 s9, $0x1;
	[dreg:$0xb] =	wrdreg s0;
	s0 =	sadd.s32 s25, s2  }
0x17: {  	v6 =	vimm.f32 $1.000000000e+00;
	v7 =	vor.u32 $0x138840, v0;
	v8 =	vor.u32 $0x138850, v0;
	s25 =	simm.s32 $0x19088;
	[dreg:$0xc] =	wrdreg s0;
	s0 =	sadd.s32 s26, s2  }
0x18: {  	v9 =	vimm.s32 $0x0;
	v10 =	vor.u32 $0x138860, v0;
	v11 =	vor.u32 $0x138870, v0;
	s26 =	simm.s32 $0x1;
	[dreg:$0xd] =	wrdreg s0;
	s0 =	simm.s32 $0x19008  }
.LBB2_25:
0x19: {  	s4 =	sadd.s32 $0x1, s4  }
0x1a: {  	p1 =	sne.s32 s4, s24  }
.Ltmp1:
0x1b: {  	_ = 	snop;
	(pc) =	sbr.rel @!p1 .LBB2_26-.Ltmp1, $1  }
0x1c: {  	_ =	sdelay $0x3  }
.LBB2_1:
0x1d: {  	s6 =	simm.s32 $0x40;
	s7 =	simm.s32 $0x0  }
.LBB2_2:
0x1e: {  	p1 =	sne.s32 s6, $0x13840;
	[tilespmem:s7+$0x19108] =	vst v3;
	s7 =	smov.u32 s6;
	s6 =	sadd.s32 $0x40, s6  }
.Ltmp2:
0x1f: {  	(pc) =	sbr.rel @p1 .LBB2_2-.Ltmp2, $2  }
0x20: {  	_ =	sdelay $0x2  }
0x21: {  	s7 =	sshra.s32 s7, $0x2  }
0x22: {  	[tilespmem:s7+$0x19108] =	vst v3  }
0x23: {  	[tilespmem:$0x19008] =	vst v6  }
0x24: {  	[tilespmem:$0x19088] =	vst v3  }
0x25: {  	[tilespmem:$0x19018] =	vst v6  }
0x26: {  	[tilespmem:$0x19098] =	vst v3  }
0x27: {  	[tilespmem:$0x19028] =	vst v6  }
0x28: {  	[tilespmem:$0x190A8] =	vst v3  }
0x29: {  	[tilespmem:$0x19038] =	vst v6  }
0x2a: {  	[tilespmem:$0x190B8] =	vst v3  }
0x2b: {  	[tilespmem:$0x19048] =	vst v6  }
0x2c: {  	[tilespmem:$0x190C8] =	vst v3  }
0x2d: {  	[tilespmem:$0x19058] =	vst v6  }
0x2e: {  	[tilespmem:$0x190D8] =	vst v3  }
0x2f: {  	[tilespmem:$0x19068] =	vst v6  }
0x30: {  	[tilespmem:$0x190E8] =	vst v3  }
0x31: {  	[tilespmem:$0x19078] =	vst v6  }
0x32: {  	s6 =	simm.s32 $0x0;
	s17 =	rddreg [dreg:$0x5];
	s8 =	simm.s32 $0x13888;
	[tilespmem:$0x190F8] =	vst v3  }
0x33: {  	[tilespmem:s8], [sflag:$0x1] =	stream.linear.gather [hbm4b:s17+s6], $0x2710, $0x38;
	[tilespmem:$0x1DF88] =	vst v63  }
0x34: {  	_ =	swait.ge [sflag:s26], $0x2710  }
0x35: {  	[sflag:s26] =	ssyncset.done $0x0  }
0x36: {  	[sflag:s26] =	ssyncadd.s32 $0xFFFFD8F0  }
0x37: {  	[tilespmem:s28], [sflag:$0x1] =	stream.linear.gather [hbm4b:s5+s6], $0x7D0, $0x38;
	[tilespmem:$0x1DF88] =	vst v63  }
0x38: {  	_ =	swait.ge [sflag:s26], $0x7D0  }
0x39: {  	[sflag:s26] =	ssyncset.done $0x0  }
0x3a: {  	s7 =	simm.s32 $0x40;
	s6 =	simm.s32 $0x0;
	[sflag:s26] =	ssyncadd.s32 $0xFFFFF830  }
.LBB2_4:
0x3b: {  	p1 =	sne.s32 s7, $0x1F00;
	v12 =	vld [tilespmem:s6+$0x13888];
	_ =	sdelay $0x1  }
0x3c: {  	v13 =	vld [tilespmem:s6+$0x16008];
	_ =	sdelay $0x1  }
.Ltmp3:
0x3d: {  	(pc) =	sbr.rel @p1 .LBB2_4-.Ltmp3, $3  }
0x3e: {  	v12 =	vmul.u32 $0x2800, v12;
	_ =	sdelay $0x1  }
0x3f: {  	v12 =	vadd.s32 v13, v12  }
0x40: {  	[tilespmem:s6+$0x13888] =	vst v12;
	s6 =	sshra.s32 s7, $0x2;
	s7 =	sadd.s32 $0x40, s7  }
0x41: {  	v12 =	vld [tilespmem:s6+$0x13888];
	_ =	sdelay $0x1  }
0x42: {  	v13 =	vld [tilespmem:s6+$0x16008];
	_ =	sdelay $0x2  }
0x43: {  	v12 =	vmul.u32 $0x2800, v12;
	_ =	sdelay $0x1  }
0x44: {  	v12 =	vadd.s32 v13, v12  }
0x45: {  	s17 =	simm.s32 $0x0;
	s7 =	rddreg [dreg:$0x6];
	[tilespmem:s6+$0x13888] =	vst v12  }
0x46: {  	[tilespmem:s28], [sflag:$0x1] =	stream.linear.gather [hbm4b:s7+s17], $0x7D0, $0x38;
	[tilespmem:$0x1DF88] =	vst v63  }
0x47: {  	_ =	swait.ge [sflag:s26], $0x7D0  }
0x48: {  	[sflag:s26] =	ssyncset.done $0x0  }
0x49: {  	s6 =	simm.s32 $0x0;
	s7 =	simm.s32 $0x40;
	[sflag:s26] =	ssyncadd.s32 $0xFFFFF830  }
.LBB2_6:
0x4a: {  	p1 =	sne.s32 s7, $0x1F00;
	v12 =	vld [tilespmem:s6+$0x14058];
	_ =	sdelay $0x1  }
0x4b: {  	v13 =	vld [tilespmem:s6+$0x16008];
	_ =	sdelay $0x1  }
.Ltmp4:
0x4c: {  	(pc) =	sbr.rel @p1 .LBB2_6-.Ltmp4, $3  }
0x4d: {  	v12 =	vmul.u32 $0x2800, v12;
	_ =	sdelay $0x1  }
0x4e: {  	v12 =	vadd.s32 v13, v12  }
0x4f: {  	[tilespmem:s6+$0x14058] =	vst v12;
	s6 =	sshra.s32 s7, $0x2;
	s7 =	sadd.s32 $0x40, s7  }
0x50: {  	v12 =	vld [tilespmem:s6+$0x14058];
	_ =	sdelay $0x1  }
0x51: {  	v13 =	vld [tilespmem:s6+$0x16008];
	_ =	sdelay $0x2  }
0x52: {  	v12 =	vmul.u32 $0x2800, v12;
	_ =	sdelay $0x1  }
0x53: {  	v12 =	vadd.s32 v13, v12  }
0x54: {  	s17 =	simm.s32 $0x0;
	s7 =	rddreg [dreg:$0x7];
	[tilespmem:s6+$0x14058] =	vst v12  }
0x55: {  	[tilespmem:s28], [sflag:$0x1] =	stream.linear.gather [hbm4b:s7+s17], $0x7D0, $0x38;
	[tilespmem:$0x1DF88] =	vst v63  }
0x56: {  	_ =	swait.ge [sflag:s26], $0x7D0  }
0x57: {  	[sflag:s26] =	ssyncset.done $0x0  }
0x58: {  	s6 =	simm.s32 $0x0;
	s7 =	simm.s32 $0x40;
	[sflag:s26] =	ssyncadd.s32 $0xFFFFF830  }
.LBB2_8:
0x59: {  	p1 =	sne.s32 s7, $0x1F00;
	v12 =	vld [tilespmem:s6+$0x14828];
	_ =	sdelay $0x1  }
0x5a: {  	v13 =	vld [tilespmem:s6+$0x16008];
	_ =	sdelay $0x1  }
.Ltmp5:
0x5b: {  	(pc) =	sbr.rel @p1 .LBB2_8-.Ltmp5, $3  }
0x5c: {  	v12 =	vmul.u32 $0x2800, v12;
	_ =	sdelay $0x1  }
0x5d: {  	v12 =	vadd.s32 v13, v12  }
0x5e: {  	[tilespmem:s6+$0x14828] =	vst v12;
	s6 =	sshra.s32 s7, $0x2;
	s7 =	sadd.s32 $0x40, s7  }
0x5f: {  	v12 =	vld [tilespmem:s6+$0x14828];
	_ =	sdelay $0x1  }
0x60: {  	v13 =	vld [tilespmem:s6+$0x16008];
	_ =	sdelay $0x2  }
0x61: {  	v12 =	vmul.u32 $0x2800, v12;
	_ =	sdelay $0x1  }
0x62: {  	v12 =	vadd.s32 v13, v12  }
0x63: {  	s17 =	simm.s32 $0x0;
	s7 =	rddreg [dreg:$0x8];
	[tilespmem:s6+$0x14828] =	vst v12  }
0x64: {  	[tilespmem:s28], [sflag:$0x1] =	stream.linear.gather [hbm4b:s7+s17], $0x7D0, $0x38;
	[tilespmem:$0x1DF88] =	vst v63  }
0x65: {  	_ =	swait.ge [sflag:s26], $0x7D0  }
0x66: {  	[sflag:s26] =	ssyncset.done $0x0  }
0x67: {  	s6 =	simm.s32 $0x0;
	s7 =	simm.s32 $0x40;
	[sflag:s26] =	ssyncadd.s32 $0xFFFFF830  }
.LBB2_10:
0x68: {  	p1 =	sne.s32 s7, $0x1F00;
	v12 =	vld [tilespmem:s6+$0x14FF8];
	_ =	sdelay $0x1  }
0x69: {  	v13 =	vld [tilespmem:s6+$0x16008];
	_ =	sdelay $0x1  }
.Ltmp6:
0x6a: {  	(pc) =	sbr.rel @p1 .LBB2_10-.Ltmp6, $3  }
0x6b: {  	v12 =	vmul.u32 $0x2800, v12;
	_ =	sdelay $0x1  }
0x6c: {  	v12 =	vadd.s32 v13, v12  }
0x6d: {  	[tilespmem:s6+$0x14FF8] =	vst v12;
	s6 =	sshra.s32 s7, $0x2;
	s7 =	sadd.s32 $0x40, s7  }
0x6e: {  	v12 =	vld [tilespmem:s6+$0x14FF8];
	_ =	sdelay $0x1  }
0x6f: {  	v13 =	vld [tilespmem:s6+$0x16008];
	_ =	sdelay $0x2  }
0x70: {  	v12 =	vmul.u32 $0x2800, v12;
	_ =	sdelay $0x1  }
0x71: {  	v12 =	vadd.s32 v13, v12  }
0x72: {  	s17 =	simm.s32 $0x0;
	s7 =	rddreg [dreg:$0x9];
	[tilespmem:s6+$0x14FF8] =	vst v12  }
0x73: {  	[tilespmem:s28], [sflag:$0x1] =	stream.linear.gather [hbm4b:s7+s17], $0x7D0, $0x38;
	[tilespmem:$0x1DF88] =	vst v63  }
0x74: {  	_ =	swait.ge [sflag:s26], $0x7D0  }
0x75: {  	[sflag:s26] =	ssyncset.done $0x0  }
0x76: {  	s6 =	simm.s32 $0x0;
	s7 =	simm.s32 $0x40;
	[sflag:s26] =	ssyncadd.s32 $0xFFFFF830  }
.LBB2_12:
0x77: {  	p1 =	sne.s32 s7, $0x1F00;
	v12 =	vld [tilespmem:s6+$0x157C8];
	_ =	sdelay $0x1  }
0x78: {  	v13 =	vld [tilespmem:s6+$0x16008];
	_ =	sdelay $0x1  }
.Ltmp7:
0x79: {  	(pc) =	sbr.rel @p1 .LBB2_12-.Ltmp7, $3  }
0x7a: {  	v12 =	vmul.u32 $0x2800, v12;
	_ =	sdelay $0x1  }
0x7b: {  	v12 =	vadd.s32 v13, v12  }
0x7c: {  	[tilespmem:s6+$0x157C8] =	vst v12;
	s6 =	sshra.s32 s7, $0x2;
	s7 =	sadd.s32 $0x40, s7  }
0x7d: {  	v12 =	vld [tilespmem:s6+$0x157C8];
	_ =	sdelay $0x1  }
0x7e: {  	v13 =	vld [tilespmem:s6+$0x16008];
	_ =	sdelay $0x2  }
0x7f: {  	v12 =	vmul.u32 $0x2800, v12;
	_ =	sdelay $0x1  }
0x80: {  	v12 =	vadd.s32 v13, v12  }
0x81: {  	s11 =	rddreg [dreg:$0xa];
	[tilespmem:s6+$0x157C8] =	vst v12  }
0x82: {  	[spmem:s11] =	stream.linear.scatter [tilespmem:s29], [sflag:$0x1], $0x4E20, $0x38;
	[tilespmem:$0x1DF88] =	vst v63  }
0x83: {  	_ =	swait.ge [sflag:s26], $0x4E20  }
0x84: {  	[sflag:s26] =	ssyncset.done $0x0  }
0x85: {  	s13 =	rddreg [dreg:$0xb];
	[sflag:s26] =	ssyncadd.s32 $0xFFFFB1E0  }
0x86: {  	[spmem:s13] =	stream.linear.scatter [tilespmem:s29], [sflag:$0x1], $0x4E20, $0x38;
	[tilespmem:$0x1DF88] =	vst v63  }
0x87: {  	_ =	swait.ge [sflag:s26], $0x4E20  }
0x88: {  	[sflag:s26] =	ssyncset.done $0x0  }
0x89: {  	s15 =	rddreg [dreg:$0xc];
	[sflag:s26] =	ssyncadd.s32 $0xFFFFB1E0  }
0x8a: {  	[spmem:s15] =	stream.linear.scatter [tilespmem:s29], [sflag:$0x1], $0x4E20, $0x38;
	[tilespmem:$0x1DF88] =	vst v63  }
0x8b: {  	_ =	swait.ge [sflag:s26], $0x4E20  }
0x8c: {  	[sflag:s26] =	ssyncset.done $0x0  }
0x8d: {  	s17 =	rddreg [dreg:$0xd];
	[sflag:s26] =	ssyncadd.s32 $0xFFFFB1E0  }
0x8e: {  	[spmem:s17] =	stream.linear.scatter [tilespmem:s29], [sflag:$0x1], $0x4E20, $0x38;
	[tilespmem:$0x1DF88] =	vst v63  }
0x8f: {  	_ =	swait.ge [sflag:s26], $0x4E20  }
0x90: {  	[sflag:s26] =	ssyncset.done $0x0  }
0x91: {  	s6 =	simm.s32 @!p0 $0x19108;
	[sflag:s26] =	ssyncadd.s32 $0xFFFFB1E0  }
0x92: {  	[spmem:s18] =	stream.linear.scatter @!p0 [tilespmem:s6], [sflag:$0x1], $0x80, $0x38;
	[tilespmem:$0x1DF88] =	vst v63  }
0x93: {  	s6 =	simm.s32 @!p0 $0x1  }
.Ltmp8:
0x94: {  	_ =	swait.ge @!p0 [sflag:s6], $0x80;
	(pc) =	sbr.rel .LBB2_14-.Ltmp8, $4  }
0x95: {  	[sflag:s6] =	ssyncset.done @!p0 $0x0  }
0x96: {  	[sflag:s6] =	ssyncadd.s32 @!p0 $0xFFFFFF80  }
0x97: {  	[bflag:$0x0] =	sbarrier.arrive $0xFFFF  }
0x98: {  	s7 =	simm.s32 $0x0;
	s6 =	simm.s32 $0x0  }
.LBB2_23:
0x99: {  	[sflag:s26] =	ssyncadd.s32 $0xFFFFFF80  }
.LBB2_24:
0x9a: {  	s7 =	sadd.s32 $0x1, s7  }
0x9b: {  	p1 =	sne.s32 s7, $0x28  }
.Ltmp9:
0x9c: {  	_ = 	snop;
	(pc) =	sbr.rel @!p1 .LBB2_25-.Ltmp9, $2  }
0x9d: {  	_ =	sdelay $0x1  }
0x9e: {  	[bflag:$0x0] =	sbarrier.arrive $0xFFFF;
	_ =	sdelay $0x1  }
.LBB2_14:
0x9f: {  	s8 =	simm.s32 $0x0  }
0xa0: {  	v13 =	vld [tilespmem:s8+$0x13888]  }
0xa1: {  	s17 =	smul.u32 $0x271000, s7;
	_ =	sdelay $0x1  }
0xa2: {  	s8 =	sadd.s32 s10, s17  }
0xa3: {  	v12 =	vmov s8  }
0xa4: {  	v13 =	vsub.s32 v13, v12  }
0xa5: {  	vm0 =	vlt.u32 v13, $0x138800  }
0xa6: {  	v14 =	vmpcnt.ones.xlane vm0;
	v15 =	vsel vm0, $0x1, v9  }
0xa7: {  	v15 =	vxor.u32 $0x80000001, v15  }
0xa8: {  	(xrf1) =	vsort.ascd.msk.u32 $0xffff, v15, v13;
	(v2sf) =	vpush v14, $0x0;
	_ =	sdelay $0x9  }
0xa9: {  	v13 =	vadd.s32 s6, v0;
	_ =	sdelay $0x3  }
0xaa: {  	s11 =	simm.s32 $0x80;
	_, v14, _ =	vpop (xrf1)  }
0xab: {  	s15 =	simm.s32 $0x10;
	s9 =	simm.s32 $0x0;
	[tilespmem:v13+s30+$0x0] =	vst.idx.msk $0xffff, v14;
	s13 =	spop (v2sf)  }
.LBB2_15:
0xac: {  	p1 =	sne.s32 s11, $0x9C00  }
0xad: {  	v13 =	vld [tilespmem:s15+$0x13888];
	s9 =	sadd.s32 s9, s13;
	s13 =	smov.u32 s11;
	s11 =	sadd.s32 $0x40, s11  }
0xae: {  	_ =	sdelay $0x3  }
0xaf: {  	v13 =	vsub.s32 v13, v12  }
0xb0: {  	vm0 =	vlt.u32 v13, $0x138800  }
0xb1: {  	v14 =	vmpcnt.ones.xlane vm0;
	v15 =	vsel vm0, $0x1, v9  }
0xb2: {  	v15 =	vxor.u32 $0x80000001, v15  }
0xb3: {  	(xrf1) =	vsort.ascd.msk.u32 $0xffff, v15, v13;
	(v2sf) =	vpush v14, $0x0;
	_ =	sdelay $0x9  }
0xb4: {  	v13 =	vadd.s32 s9, v0  }
.Ltmp10:
0xb5: {  	(pc) =	sbr.rel @p1 .LBB2_15-.Ltmp10, $3  }
0xb6: {  	_ =	sdelay $0x1  }
0xb7: {  	_, v14, _ =	vpop (xrf1)  }
0xb8: {  	s15 =	sshra.s32 s13, $0x2;
	[tilespmem:v13+s30+$0x0] =	vst.idx.msk $0xffff, v14;
	s13 =	spop (v2sf)  }
0xb9: {  	v13 =	vld [tilespmem:s15+$0x13888];
	_ =	sdelay $0x4  }
0xba: {  	v12 =	vsub.s32 v13, v12  }
0xbb: {  	vm0 =	vlt.u32 v12, $0x138800  }
0xbc: {  	v56 =	vmpcnt.ones.xlane vm0;
	_ =	sdelay $0x1  }
0xbd: {  	(v2sf) =	vpush v56, $0x0;
	_ =	sdelay $0x4  }
0xbe: {  	v57 =	vsel vm0, $0x1, v9  }
0xbf: {  	v13 =	vxor.u32 $0x80000001, v57  }
0xc0: {  	(xrf1) =	vsort.ascd.msk.u32 $0xffff, v13, v12;
	_ =	sdelay $0x7  }
0xc1: {  	s9 =	sadd.s32 s9, s13;
	s11 =	spop (v2sf)  }
0xc2: {  	v58 =	vadd.s32 s9, v0;
	s9 =	sadd.s32 s9, s11  }
0xc3: {  	s11 =	sadd.s32 $0x10, s9;
	s17 =	sadd.s32 $0x20, s9;
	s15 =	sadd.s32 $0x40, s9  }
0xc4: {  	v59 =	vadd.s32 s9, v0;
	s13 =	sadd.s32 $0x30, s9;
	v15 =	vadd.s32 s17, v0;
	v60 =	vadd.s32 s15, v0;
	s17 =	sadd.s32 $0x50, s9;
	s15 =	sadd.s32 $0x7F, s9  }
0xc5: {  	v14 =	vadd.s32 s11, v0;
	v17 =	vadd.s32 s13, v0;
	s11 =	simm.s32 $0x16808;
	s13 =	sadd.s32 $0x60, s9;
	v61 =	vadd.s32 s17, v0;
	s17 =	sand.u32 $0x7F, s15  }
0xc6: {  	p2 =	slt.s32 s15, $0x1;
	p1 =	sne.s32 s17, $0x0;
	s17 =	sshra.s32 s15, $0x1F  }
0xc7: {  	_, v16, _ =	vpop (xrf1);
	s9 =	sadd.s32 $0x70, s9;
	s17 =	sshrl.u32 s17, $0x19;
	p1 =	por !p2, !p1  }
0xc8: {  	[tilespmem:v58+s30+$0x0] =	vst.idx.msk $0xffff, v16;
	v62 =	vadd.s32 s13, v0;
	v63 =	vadd.s32 s9, v0;
	s13 =	simm.s32 $0x1;
	s9 =	sadd.s32 s17, s15;
	p1 =	por !p1, !p1  }
0xc9: {  	[tilespmem:v59+s11+$0x0] =	vst.idx.msk $0xffff, v1;
	s9 =	sshra.s32 s9, $0x7;
	s13 =	simm.s32 @!p1 $0x0  }
0xca: {  	[tilespmem:v14+s11+$0x0] =	vst.idx.msk $0xffff, v2;
	s9 =	ssub.s32 s9, s13  }
0xcb: {  	[tilespmem:v15+s11+$0x0] =	vst.idx.msk $0xffff, v4;
	p1 =	slt.s32 s9, $0x1  }
.Ltmp11:
0xcc: {  	[tilespmem:v17+s11+$0x0] =	vst.idx.msk $0xffff, v5;
	(pc) =	sbr.rel @p1 .LBB2_20-.Ltmp11, $4  }
0xcd: {  	[tilespmem:v60+s11+$0x0] =	vst.idx.msk $0xffff, v7  }
0xce: {  	[tilespmem:v61+s11+$0x0] =	vst.idx.msk $0xffff, v8  }
0xcf: {  	[tilespmem:v62+s11+$0x0] =	vst.idx.msk $0xffff, v10  }
0xd0: {  	[tilespmem:v63+s11+$0x0] =	vst.idx.msk $0xffff, v11  }
0xd1: {  	p2 =	sne.s32 s9, $0x1  }
.Ltmp12:
0xd2: {  	_ = 	snop;
	(pc) =	sbr.rel @!p2 .LBB2_19-.Ltmp12, $4  }
0xd3: {  	_ = 	snop  }
0xd4: {  	[spmem:s2] =	stream.indirect.scatter.add.f32 [tilespmem:s0], [sflag:$0x1], $0x1, s11, s31, $0xb8;
	[tilespmem:$0x1DF88] =	vst v63  }
0xd5: {  	_ =	swait.ge [sflag:s26], $0x80  }
0xd6: {  	s13 =	sadd.s32 $0xFFFFFFFF, s9;
	[sflag:s26] =	ssyncset.done $0x0  }
.LBB2_18:
0xd7: {  	p2 =	sne.s32 s13, $0x1;
	[sflag:s26] =	ssyncadd.s32 $0xFFFFFF80;
	s11 =	sadd.s32 $0x80, s11  }
.Ltmp13:
0xd8: {  	s13 =	sadd.s32 $0xFFFFFFFF, s13;
	(pc) =	sbr.rel @p2 .LBB2_18-.Ltmp13, $4  }
0xd9: {  	_ = 	snop  }
0xda: {  	[spmem:s2] =	stream.indirect.scatter.add.f32 [tilespmem:s0], [sflag:$0x1], $0x1, s11, s31, $0xb8;
	[tilespmem:$0x1DF88] =	vst v63  }
0xdb: {  	_ =	swait.ge [sflag:s26], $0x80  }
0xdc: {  	[sflag:s26] =	ssyncset.done $0x0  }
.LBB2_19:
0xdd: {  	[sflag:s26] =	ssyncadd.s32 $0xFFFFFF80  }
.LBB2_20:
0xde: {  	[bflag:$0x0] =	sbarrier.arrive $0xFFFF  }
0xdf: {  	[tilespmem:s29], [sflag:$0x1] =	stream.linear.gather [spmem:s20], $0x4E20, $0x38;
	[tilespmem:$0x1DF88] =	vst v63  }
0xe0: {  	s11 =	sadd.s32 s12, s8;
	_ =	swait.ge [sflag:s26], $0x4E20  }
0xe1: {  	s11 =	sshrl.u32 s11, $0x3;
	[sflag:s26] =	ssyncset.done $0x0  }
0xe2: {  	s11 =	sadd.s32 s1, s11;
	[sflag:s26] =	ssyncadd.s32 $0xFFFFB1E0  }
0xe3: {  	[hbm4b:s11+s3] =	stream.linear.scatter [tilespmem:s29], [sflag:$0x1], $0x4E20, $0x38;
	[tilespmem:$0x1DF88] =	vst v63  }
0xe4: {  	_ =	swait.ge [sflag:s26], $0x4E20  }
0xe5: {  	[sflag:s26] =	ssyncset.done $0x0  }
0xe6: {  	[sflag:s26] =	ssyncadd.s32 $0xFFFFB1E0  }
0xe7: {  	[tilespmem:s29], [sflag:$0x1] =	stream.linear.gather [spmem:s21], $0x4E20, $0x38;
	[tilespmem:$0x1DF88] =	vst v63  }
0xe8: {  	s13 =	sadd.s32 s14, s8;
	_ =	swait.ge [sflag:s26], $0x4E20  }
0xe9: {  	s11 =	sshrl.u32 s13, $0x3;
	[sflag:s26] =	ssyncset.done $0x0  }
0xea: {  	s11 =	sadd.s32 s1, s11;
	[sflag:s26] =	ssyncadd.s32 $0xFFFFB1E0  }
0xeb: {  	[hbm4b:s11+s3] =	stream.linear.scatter [tilespmem:s29], [sflag:$0x1], $0x4E20, $0x38;
	[tilespmem:$0x1DF88] =	vst v63  }
0xec: {  	_ =	swait.ge [sflag:s26], $0x4E20  }
0xed: {  	[sflag:s26] =	ssyncset.done $0x0  }
0xee: {  	[sflag:s26] =	ssyncadd.s32 $0xFFFFB1E0  }
0xef: {  	[tilespmem:s29], [sflag:$0x1] =	stream.linear.gather [spmem:s22], $0x4E20, $0x38;
	[tilespmem:$0x1DF88] =	vst v63  }
0xf0: {  	s15 =	sadd.s32 s16, s8;
	_ =	swait.ge [sflag:s26], $0x4E20  }
0xf1: {  	s11 =	sshrl.u32 s15, $0x3;
	[sflag:s26] =	ssyncset.done $0x0  }
0xf2: {  	s11 =	sadd.s32 s1, s11;
	[sflag:s26] =	ssyncadd.s32 $0xFFFFB1E0  }
0xf3: {  	[hbm4b:s11+s3] =	stream.linear.scatter [tilespmem:s29], [sflag:$0x1], $0x4E20, $0x38;
	[tilespmem:$0x1DF88] =	vst v63  }
0xf4: {  	_ =	swait.ge [sflag:s26], $0x4E20  }
0xf5: {  	[sflag:s26] =	ssyncset.done $0x0  }
0xf6: {  	[sflag:s26] =	ssyncadd.s32 $0xFFFFB1E0  }
0xf7: {  	[tilespmem:s29], [sflag:$0x1] =	stream.linear.gather [spmem:s23], $0x4E20, $0x38;
	[tilespmem:$0x1DF88] =	vst v63  }
0xf8: {  	s17 =	sadd.s32 s19, s8;
	_ =	swait.ge [sflag:s26], $0x4E20  }
0xf9: {  	s8 =	sshrl.u32 s17, $0x3;
	[sflag:s26] =	ssyncset.done $0x0  }
0xfa: {  	s8 =	sadd.s32 s1, s8;
	[sflag:s26] =	ssyncadd.s32 $0xFFFFB1E0  }
0xfb: {  	[hbm4b:s8+s3] =	stream.linear.scatter [tilespmem:s29], [sflag:$0x1], $0x4E20, $0x38;
	[tilespmem:$0x1DF88] =	vst v63  }
.Ltmp14:
0xfc: {  	_ =	swait.ge [sflag:s26], $0x4E20;
	(pc) =	sbr.rel @p1 .LBB2_24-.Ltmp14, $4  }
0xfd: {  	[sflag:s26] =	ssyncset.done $0x0  }
0xfe: {  	[sflag:s26] =	ssyncadd.s32 $0xFFFFB1E0  }
0xff: {  	[bflag:$0x0] =	sbarrier.arrive $0xFFFF  }
0x100: {  	s8 =	simm.s32 $0x16808  }
0x101: {  	p1 =	sne.s32 s9, $0x1  }
.Ltmp15:
0x102: {  	_ = 	snop;
	(pc) =	sbr.rel @!p1 .LBB2_23-.Ltmp15, $4  }
0x103: {  	_ = 	snop  }
0x104: {  	[spmem:s2] =	stream.indirect.scatter [tilespmem:s25], [sflag:$0x1], $0x1, s8, s31, $0xb8;
	[tilespmem:$0x1DF88] =	vst v63  }
0x105: {  	_ =	swait.ge [sflag:s26], $0x80  }
0x106: {  	s9 =	sadd.s32 $0xFFFFFFFF, s9;
	[sflag:s26] =	ssyncset.done $0x0  }
.LBB2_22:
0x107: {  	p1 =	sne.s32 s9, $0x1;
	[sflag:s26] =	ssyncadd.s32 $0xFFFFFF80;
	s8 =	sadd.s32 $0x80, s8  }
.Ltmp16:
0x108: {  	s9 =	sadd.s32 $0xFFFFFFFF, s9;
	(pc) =	sbr.rel @p1 .LBB2_22-.Ltmp16, $4  }
0x109: {  	_ = 	snop  }
0x10a: {  	[spmem:s2] =	stream.indirect.scatter [tilespmem:s25], [sflag:$0x1], $0x1, s8, s31, $0xb8;
	[tilespmem:$0x1DF88] =	vst v63  }
0x10b: {  	_ =	swait.ge [sflag:s26], $0x80  }
0x10c: {  	[sflag:s26] =	ssyncset.done $0x0  }
.Ltmp17:
0x10d: {  	_ = 	snop;
	(pc) =	sbr.rel .LBB2_23-.Ltmp17, $1  }
0x10e: {  	_ =	sdelay $0x3  }
.LBB2_26:
0x10f: {  	_ =	sfence.sel $0x180000  }
0x110: {  	[bflag:$0x0] =	sbarrier.arrive $0xFFFF  }
0x111: {  	_ =	strace $0x90000047  }
0x112: {  	[bflag:$0x2] =	sbarrier.arrive $0xFFFF  }
0x113: {  	s0 =	rddreg [dreg:$0x4]  }
0x114: {  	s0 =	sadd.s32 @!p0 $0x100000, s0  }
0x115: {  	[sflag:s0] =	ssyncadd.tile.s32 @!p0 $0x1;
	_ =	shalt  }
.Lfunc_end2:
_tile_overlayer_lowered:
.L_overlay_start_2:
0x116: {  	(tag) =	ssettag $0x2  }
0x117: {  	s0 =	rddreg [dreg:$0x0];
	s2 =	stileid.u32  }
0x118: {  	s1 =	rddreg [dreg:$0x1];
	p0 =	sne.s32 s2, $0x0  }
0x119: {  	s3 =	rddreg [dreg:$0x2];
	[bflag:$0x3] =	sbarrier.arrive $0xFFFF;
	s2 =	simm.s32 @!p0 $0x1C01  }
0x11a: {  	[timem:s3], [sflag:s2] =	dma.local @!p0 [hbm:s0], s1  }
0x11b: {  	s0 =	simm.s32 @!p0 $0x1  }
0x11c: {  	_ =	swait.ge @!p0 [sflag:s0], s1  }
0x11d: {  	s1 =	ssub.s32 @!p0 $0x0, s1;
	[sflag:s0] =	ssyncset.done @!p0 $0x0  }
0x11e: {  	[sflag:s0] =	ssyncadd.s32 @!p0 s1  }
0x11f: {  	[bflag:$0x3] =	sbarrier.arrive $0xFFFF  }
0x120: {  	_ =	shalt  }

</sc_bundles>
